<compile_context>
chip_gen: v7x
topology: tpu7x:2x2x1
jax: 0.10.2.dev20260603
libtpu: 0.0.44.dev20260713+nightly
codegen_flags: <defaults>
</compile_context>

<pallas_src>
import jax
import jax.numpy as jnp
from jax import lax
from jax.experimental import pallas as pl
from jax.experimental.pallas import tpu as pltpu
from jax.experimental.pallas import tpu_sc as plsc

BATCH = 4096
SLOTS = 8
KD = 64
RD = SLOTS * KD
LANES = 16
NCHUNK = KD // LANES
NC = 2
NS = 16
NW = NC * NS
UPW = BATCH // NW


def _mann_body(user_hbm, query_hbm, value_hbm, out_hbm,
               idx_v, rows_v, q_v, out_v, sem):
    wid = lax.axis_index("s") * NC + lax.axis_index("c")
    base = wid * UPW

    pltpu.sync_copy(user_hbm.at[pl.ds(base, UPW)], idx_v)
    gather = pltpu.async_copy(value_hbm.at[idx_v], rows_v, sem)
    pltpu.sync_copy(query_hbm.at[pl.ds(base, UPW)], q_v)
    gather.wait()

    def user_body(u):
        q = [q_v[u, pl.ds(c * LANES, LANES)] for c in range(NCHUNK)]
        mk = [[rows_v[u, pl.ds(s * KD + c * LANES, LANES)]
               for c in range(NCHUNK)] for s in range(SLOTS)]

        scores = []
        for s in range(SLOTS):
            acc = mk[s][0] * q[0]
            for c in range(1, NCHUNK):
                acc = acc + mk[s][c] * q[c]
            scores.append(jnp.sum(acc))

        m = scores[0]
        for s in range(1, SLOTS):
            m = jnp.maximum(m, scores[s])
        zeros = jnp.zeros((LANES,), jnp.float32)
        e = [jnp.exp(zeros + (sc - m)) for sc in scores]
        denom = e[0]
        for s in range(1, SLOTS):
            denom = denom + e[s]

        for c in range(NCHUNK):
            acc = e[0] * mk[0][c]
            for s in range(1, SLOTS):
                acc = acc + e[s] * mk[s][c]
            out_v[u, pl.ds(c * LANES, LANES)] = acc / denom

    plsc.parallel_loop(0, UPW, unroll=8)(user_body)
    pltpu.sync_copy(out_v, out_hbm.at[pl.ds(base, UPW)])


def kernel(user, query, Value):
    mesh = plsc.VectorSubcoreMesh(core_axis_name="c", subcore_axis_name="s")
    run = pl.kernel(
        _mann_body,
        out_type=jax.ShapeDtypeStruct((BATCH, KD), jnp.float32),
        mesh=mesh,
        compiler_params=pltpu.CompilerParams(needs_layout_passes=False),
        scratch_types=[
            pltpu.VMEM((UPW,), jnp.int32),
            pltpu.VMEM((UPW, RD), jnp.float32),
            pltpu.VMEM((UPW, KD), jnp.float32),
            pltpu.VMEM((UPW, KD), jnp.float32),
            pltpu.SemaphoreType.DMA,
        ],
    )
    return run(user.astype(jnp.int32), query,
               Value.reshape(Value.shape[0], RD))

# --- scband reference (transcript-rebuilt; emitter-appended) ---
"""Pipeline reference for scband-mann-feature-36679020708360 (READ-ONLY COPY).

The authoritative reference and input builder live on the scoring server;
editing this copy changes nothing except your own understanding.
"""

import jax, jax.numpy as jnp
import numpy as np

USER_NUMS = 100000
SLOT_NUM = 8
KEY_DIM = 64
BATCH = 4096


def setup_inputs(seed: int = 0) -> dict:
    key = jax.random.key(seed)
    k1, k2, k3 = jax.random.split(key, 3)
    user = jax.random.randint(k1, (BATCH,), 0, USER_NUMS, dtype=jnp.int64 if jax.config.jax_enable_x64 else jnp.int32)
    query = jax.random.normal(k2, (BATCH, KEY_DIM), dtype=jnp.float32)
    # Learned per-user memory value table [user_nums, slot_num, key_dim], init normal(0, 1)
    Value = jax.random.normal(k3, (USER_NUMS, SLOT_NUM, KEY_DIM), dtype=jnp.float32)
    return {"user": user, "query": query, "Value": Value}


def reference(user, query, Value):
    # MK = self.Value[user]  -> [B, slot_num, key_dim]
    MK = jnp.take(Value, user, axis=0)
    # weight_qk = softmax(MK @ query.unsqueeze(2), dim=1) -> [B, slot_num, 1]
    scores = jnp.matmul(MK, query[:, :, None])
    weight_qk = jax.nn.softmax(scores, axis=1)
    # p_m = sum(weight_qk * MK, dim=1) -> [B, key_dim]
    p_m = jnp.sum(weight_qk * MK, axis=1)
    return p_m

if __name__ == "__main__":
    import jax
    _d = setup_inputs()
    print(jax.jit(kernel)(*tuple(_d.values())))

</pallas_src>

<mosaic_0001>
#map = affine_map<(d0, d1) -> (0)>
#map1 = affine_map<(d0, d1) -> (0, 0)>
module attributes {stable_mosaic.version = 14 : i64} {
  func.func @_mann_body(%arg0: i32, %arg1: i32, %arg2: memref<4096xi32, #tpu.memory_space<hbm>>, %arg3: memref<4096x64xf32, #tpu.memory_space<hbm>>, %arg4: memref<100000x512xf32, #tpu.memory_space<hbm>>, %arg5: memref<4096x64xf32, #tpu.memory_space<hbm>>, %arg6: memref<128xi32, #tpu.memory_space<vmem>>, %arg7: memref<128x512xf32, #tpu.memory_space<vmem>>, %arg8: memref<128x64xf32, #tpu.memory_space<vmem>>, %arg9: memref<128x64xf32, #tpu.memory_space<vmem>>, %arg10: memref<!tpu.dma_semaphore, #tpu.memory_space<semaphore_mem>>) attributes {dimension_semantics = [#tpu.dimension_semantics<core_parallel>, #tpu.dimension_semantics<subcore_parallel>], iteration_bounds = array<i64: 2, 16>, scalar_prefetch = 0 : i64, scratch_operands = 5 : i64, tpu.core_type = #tpu.core_type<sc_vector_subcore>, window_params = [{transform_indices = #map}, {transform_indices = #map1}, {transform_indices = #map1}, {transform_indices = #map1}]} {
    %mul3A = arith.constant 2 : i32
    %mul3A_0 = arith.muli %arg1, %mul3A : i32
    %add3A = arith.addi %mul3A_0, %arg0 : i32
    %mul3A_1 = arith.constant 128 : i32
    %mul3A_2 = arith.muli %add3A, %mul3A_1 : i32
    "tpu.region"() ({
      %run_scoped3A = tpu.sem_alloc : memref<!tpu.dma_semaphore, #tpu.memory_space<semaphore_mem>>
      %dma_start3A_9 = tpu.memref_slice %arg2[%mul3A_2] : memref<4096xi32, #tpu.memory_space<hbm>> -> memref<128xi32, #tpu.memory_space<hbm>>
      %dma_start3A_10 = tpu.memref_slice %arg2[%mul3A_2] : memref<4096xi32, #tpu.memory_space<hbm>> -> memref<128xi32, #tpu.memory_space<hbm>>
      tpu.enqueue_dma source(%dma_start3A_10 : memref<128xi32, #tpu.memory_space<hbm>>) target(%arg6 : memref<128xi32, #tpu.memory_space<vmem>>) target_semaphore(%run_scoped3A : memref<!tpu.dma_semaphore, #tpu.memory_space<semaphore_mem>>)
      %dma_wait3A_11 = tpu.memref_slice %arg2[%mul3A_2] : memref<4096xi32, #tpu.memory_space<hbm>> -> memref<128xi32, #tpu.memory_space<hbm>>
      %dma_wait3A_12 = tpu.memref_slice %arg2[%mul3A_2] : memref<4096xi32, #tpu.memory_space<hbm>> -> memref<128xi32, #tpu.memory_space<hbm>>
      tpu.wait_dma2 semaphore(%run_scoped3A : memref<!tpu.dma_semaphore, #tpu.memory_space<semaphore_mem>>) src(%dma_wait3A_12 : memref<128xi32, #tpu.memory_space<hbm>>) dst(%arg6 : memref<128xi32, #tpu.memory_space<vmem>>)
      tpu.yield
    }) : () -> ()
    %dma_start3A = arith.constant 0 : i32
    %dma_start3A_3 = arith.constant 0 : i32
    %dma_start3A_4 = tpu.memref_slice %arg4[%dma_start3A, %dma_start3A_3] : memref<100000x512xf32, #tpu.memory_space<hbm>> -> memref<100000x512xf32, #tpu.memory_space<hbm>>
    tpu.enqueue_indirect_dma source(%dma_start3A_4 : memref<100000x512xf32, #tpu.memory_space<hbm>>) target(%arg7 : memref<128x512xf32, #tpu.memory_space<vmem>>) offsets(%arg6 : memref<128xi32, #tpu.memory_space<vmem>>) semaphore(%arg10 : memref<!tpu.dma_semaphore, #tpu.memory_space<semaphore_mem>>)
    "tpu.region"() ({
      %run_scoped3A = tpu.sem_alloc : memref<!tpu.dma_semaphore, #tpu.memory_space<semaphore_mem>>
      %dma_start3A_9 = arith.constant 0 : i32
      %dma_start3A_10 = tpu.memref_slice %arg3[%mul3A_2, %dma_start3A_9] : memref<4096x64xf32, #tpu.memory_space<hbm>> -> memref<128x64xf32, #tpu.memory_space<hbm>>
      %dma_start3A_11 = arith.constant 0 : i32
      %dma_start3A_12 = tpu.memref_slice %arg3[%mul3A_2, %dma_start3A_11] : memref<4096x64xf32, #tpu.memory_space<hbm>> -> memref<128x64xf32, #tpu.memory_space<hbm>>
      tpu.enqueue_dma source(%dma_start3A_12 : memref<128x64xf32, #tpu.memory_space<hbm>>) target(%arg8 : memref<128x64xf32, #tpu.memory_space<vmem>>) target_semaphore(%run_scoped3A : memref<!tpu.dma_semaphore, #tpu.memory_space<semaphore_mem>>)
      %dma_wait3A_13 = arith.constant 0 : i32
      %dma_wait3A_14 = tpu.memref_slice %arg3[%mul3A_2, %dma_wait3A_13] : memref<4096x64xf32, #tpu.memory_space<hbm>> -> memref<128x64xf32, #tpu.memory_space<hbm>>
      %dma_wait3A_15 = arith.constant 0 : i32
      %dma_wait3A_16 = tpu.memref_slice %arg3[%mul3A_2, %dma_wait3A_15] : memref<4096x64xf32, #tpu.memory_space<hbm>> -> memref<128x64xf32, #tpu.memory_space<hbm>>
      tpu.wait_dma2 semaphore(%run_scoped3A : memref<!tpu.dma_semaphore, #tpu.memory_space<semaphore_mem>>) src(%dma_wait3A_16 : memref<128x64xf32, #tpu.memory_space<hbm>>) dst(%arg8 : memref<128x64xf32, #tpu.memory_space<vmem>>)
      tpu.yield
    }) : () -> ()
    %dma_wait3A = arith.constant 0 : i32
    %dma_wait3A_5 = arith.constant 0 : i32
    %dma_wait3A_6 = tpu.memref_slice %arg4[%dma_wait3A, %dma_wait3A_5] : memref<100000x512xf32, #tpu.memory_space<hbm>> -> memref<100000x512xf32, #tpu.memory_space<hbm>>
    tpu.wait_indirect_dma semaphore(%arg10 : memref<!tpu.dma_semaphore, #tpu.memory_space<semaphore_mem>>) src(%dma_wait3A_6 : memref<100000x512xf32, #tpu.memory_space<hbm>>) dst(%arg7 : memref<128x512xf32, #tpu.memory_space<vmem>>)
    %parallel_loop3A = arith.constant 0 : i32
    %parallel_loop3A_7 = arith.constant 128 : i32
    %parallel_loop3A_8 = arith.constant 1 : i32
    scf.for %parallel_loop3A_9 = %parallel_loop3A to %parallel_loop3A_7 step %parallel_loop3A_8  : i32 {
      %parallel_loop3A_10 = arith.index_cast %parallel_loop3A_9 : i32 to index
      %parallel_loop3A_11 = arith.constant 0 : index
      %parallel_loop3A_12 = tpu.vector_load %arg8[%parallel_loop3A_10, %parallel_loop3A_11] {strides = array<i32>} : memref<128x64xf32, #tpu.memory_space<vmem>>, vector<16xf32>,
      %parallel_loop3A_13 = arith.index_cast %parallel_loop3A_9 : i32 to index
      %parallel_loop3A_14 = arith.constant 16 : index
      %parallel_loop3A_15 = tpu.vector_load %arg8[%parallel_loop3A_13, %parallel_loop3A_14] {strides = array<i32>} : memref<128x64xf32, #tpu.memory_space<vmem>>, vector<16xf32>,
      %parallel_loop3A_16 = arith.index_cast %parallel_loop3A_9 : i32 to index
      %parallel_loop3A_17 = arith.constant 32 : index
      %parallel_loop3A_18 = tpu.vector_load %arg8[%parallel_loop3A_16, %parallel_loop3A_17] {strides = array<i32>} : memref<128x64xf32, #tpu.memory_space<vmem>>, vector<16xf32>,
      %parallel_loop3A_19 = arith.index_cast %parallel_loop3A_9 : i32 to index
      %parallel_loop3A_20 = arith.constant 48 : index
      %parallel_loop3A_21 = tpu.vector_load %arg8[%parallel_loop3A_19, %parallel_loop3A_20] {strides = array<i32>} : memref<128x64xf32, #tpu.memory_space<vmem>>, vector<16xf32>,
      %parallel_loop3A_22 = arith.index_cast %parallel_loop3A_9 : i32 to index
      %parallel_loop3A_23 = arith.constant 0 : index
      %parallel_loop3A_24 = tpu.vector_load %arg7[%parallel_loop3A_22, %parallel_loop3A_23] {strides = array<i32>} : memref<128x512xf32, #tpu.memory_space<vmem>>, vector<16xf32>,
      %parallel_loop3A_25 = arith.index_cast %parallel_loop3A_9 : i32 to index
      %parallel_loop3A_26 = arith.constant 16 : index
      %parallel_loop3A_27 = tpu.vector_load %arg7[%parallel_loop3A_25, %parallel_loop3A_26] {strides = array<i32>} : memref<128x512xf32, #tpu.memory_space<vmem>>, vector<16xf32>,
      %parallel_loop3A_28 = arith.index_cast %parallel_loop3A_9 : i32 to index
      %parallel_loop3A_29 = arith.constant 32 : index
      %parallel_loop3A_30 = tpu.vector_load %arg7[%parallel_loop3A_28, %parallel_loop3A_29] {strides = array<i32>} : memref<128x512xf32, #tpu.memory_space<vmem>>, vector<16xf32>,
      %parallel_loop3A_31 = arith.index_cast %parallel_loop3A_9 : i32 to index
      %parallel_loop3A_32 = arith.constant 48 : index
      %parallel_loop3A_33 = tpu.vector_load %arg7[%parallel_loop3A_31, %parallel_loop3A_32] {strides = array<i32>} : memref<128x512xf32, #tpu.memory_space<vmem>>, vector<16xf32>,
      %parallel_loop3A_34 = arith.index_cast %parallel_loop3A_9 : i32 to index
      %parallel_loop3A_35 = arith.constant 64 : index
      %parallel_loop3A_36 = tpu.vector_load %arg7[%parallel_loop3A_34, %parallel_loop3A_35] {strides = array<i32>} : memref<128x512xf32, #tpu.memory_space<vmem>>, vector<16xf32>,
      %parallel_loop3A_37 = arith.index_cast %parallel_loop3A_9 : i32 to index
      %parallel_loop3A_38 = arith.constant 80 : index
      %parallel_loop3A_39 = tpu.vector_load %arg7[%parallel_loop3A_37, %parallel_loop3A_38] {strides = array<i32>} : memref<128x512xf32, #tpu.memory_space<vmem>>, vector<16xf32>,
      %parallel_loop3A_40 = arith.index_cast %parallel_loop3A_9 : i32 to index
      %parallel_loop3A_41 = arith.constant 96 : index
      %parallel_loop3A_42 = tpu.vector_load %arg7[%parallel_loop3A_40, %parallel_loop3A_41] {strides = array<i32>} : memref<128x512xf32, #tpu.memory_space<vmem>>, vector<16xf32>,
      %parallel_loop3A_43 = arith.index_cast %parallel_loop3A_9 : i32 to index
      %parallel_loop3A_44 = arith.constant 112 : index
      %parallel_loop3A_45 = tpu.vector_load %arg7[%parallel_loop3A_43, %parallel_loop3A_44] {strides = array<i32>} : memref<128x512xf32, #tpu.memory_space<vmem>>, vector<16xf32>,
      %parallel_loop3A_46 = arith.index_cast %parallel_loop3A_9 : i32 to index
      %parallel_loop3A_47 = arith.constant 128 : index
      %parallel_loop3A_48 = tpu.vector_load %arg7[%parallel_loop3A_46, %parallel_loop3A_47] {strides = array<i32>} : memref<128x512xf32, #tpu.memory_space<vmem>>, vector<16xf32>,
      %parallel_loop3A_49 = arith.index_cast %parallel_loop3A_9 : i32 to index
      %parallel_loop3A_50 = arith.constant 144 : index
      %parallel_loop3A_51 = tpu.vector_load %arg7[%parallel_loop3A_49, %parallel_loop3A_50] {strides = array<i32>} : memref<128x512xf32, #tpu.memory_space<vmem>>, vector<16xf32>,
      %parallel_loop3A_52 = arith.index_cast %parallel_loop3A_9 : i32 to index
      %parallel_loop3A_53 = arith.constant 160 : index
      %parallel_loop3A_54 = tpu.vector_load %arg7[%parallel_loop3A_52, %parallel_loop3A_53] {strides = array<i32>} : memref<128x512xf32, #tpu.memory_space<vmem>>, vector<16xf32>,
      %parallel_loop3A_55 = arith.index_cast %parallel_loop3A_9 : i32 to index
      %parallel_loop3A_56 = arith.constant 176 : index
      %parallel_loop3A_57 = tpu.vector_load %arg7[%parallel_loop3A_55, %parallel_loop3A_56] {strides = array<i32>} : memref<128x512xf32, #tpu.memory_space<vmem>>, vector<16xf32>,
      %parallel_loop3A_58 = arith.index_cast %parallel_loop3A_9 : i32 to index
      %parallel_loop3A_59 = arith.constant 192 : index
      %parallel_loop3A_60 = tpu.vector_load %arg7[%parallel_loop3A_58, %parallel_loop3A_59] {strides = array<i32>} : memref<128x512xf32, #tpu.memory_space<vmem>>, vector<16xf32>,
      %parallel_loop3A_61 = arith.index_cast %parallel_loop3A_9 : i32 to index
      %parallel_loop3A_62 = arith.constant 208 : index
      %parallel_loop3A_63 = tpu.vector_load %arg7[%parallel_loop3A_61, %parallel_loop3A_62] {strides = array<i32>} : memref<128x512xf32, #tpu.memory_space<vmem>>, vector<16xf32>,
      %parallel_loop3A_64 = arith.index_cast %parallel_loop3A_9 : i32 to index
      %parallel_loop3A_65 = arith.constant 224 : index
      %parallel_loop3A_66 = tpu.vector_load %arg7[%parallel_loop3A_64, %parallel_loop3A_65] {strides = array<i32>} : memref<128x512xf32, #tpu.memory_space<vmem>>, vector<16xf32>,
      %parallel_loop3A_67 = arith.index_cast %parallel_loop3A_9 : i32 to index
      %parallel_loop3A_68 = arith.constant 240 : index
      %parallel_loop3A_69 = tpu.vector_load %arg7[%parallel_loop3A_67, %parallel_loop3A_68] {strides = array<i32>} : memref<128x512xf32, #tpu.memory_space<vmem>>, vector<16xf32>,
      %parallel_loop3A_70 = arith.index_cast %parallel_loop3A_9 : i32 to index
      %parallel_loop3A_71 = arith.constant 256 : index
      %parallel_loop3A_72 = tpu.vector_load %arg7[%parallel_loop3A_70, %parallel_loop3A_71] {strides = array<i32>} : memref<128x512xf32, #tpu.memory_space<vmem>>, vector<16xf32>,
      %parallel_loop3A_73 = arith.index_cast %parallel_loop3A_9 : i32 to index
      %parallel_loop3A_74 = arith.constant 272 : index
      %parallel_loop3A_75 = tpu.vector_load %arg7[%parallel_loop3A_73, %parallel_loop3A_74] {strides = array<i32>} : memref<128x512xf32, #tpu.memory_space<vmem>>, vector<16xf32>,
      %parallel_loop3A_76 = arith.index_cast %parallel_loop3A_9 : i32 to index
      %parallel_loop3A_77 = arith.constant 288 : index
      %parallel_loop3A_78 = tpu.vector_load %arg7[%parallel_loop3A_76, %parallel_loop3A_77] {strides = array<i32>} : memref<128x512xf32, #tpu.memory_space<vmem>>, vector<16xf32>,
      %parallel_loop3A_79 = arith.index_cast %parallel_loop3A_9 : i32 to index
      %parallel_loop3A_80 = arith.constant 304 : index
      %parallel_loop3A_81 = tpu.vector_load %arg7[%parallel_loop3A_79, %parallel_loop3A_80] {strides = array<i32>} : memref<128x512xf32, #tpu.memory_space<vmem>>, vector<16xf32>,
      %parallel_loop3A_82 = arith.index_cast %parallel_loop3A_9 : i32 to index
      %parallel_loop3A_83 = arith.constant 320 : index
      %parallel_loop3A_84 = tpu.vector_load %arg7[%parallel_loop3A_82, %parallel_loop3A_83] {strides = array<i32>} : memref<128x512xf32, #tpu.memory_space<vmem>>, vector<16xf32>,
      %parallel_loop3A_85 = arith.index_cast %parallel_loop3A_9 : i32 to index
      %parallel_loop3A_86 = arith.constant 336 : index
      %parallel_loop3A_87 = tpu.vector_load %arg7[%parallel_loop3A_85, %parallel_loop3A_86] {strides = array<i32>} : memref<128x512xf32, #tpu.memory_space<vmem>>, vector<16xf32>,
      %parallel_loop3A_88 = arith.index_cast %parallel_loop3A_9 : i32 to index
      %parallel_loop3A_89 = arith.constant 352 : index
      %parallel_loop3A_90 = tpu.vector_load %arg7[%parallel_loop3A_88, %parallel_loop3A_89] {strides = array<i32>} : memref<128x512xf32, #tpu.memory_space<vmem>>, vector<16xf32>,
      %parallel_loop3A_91 = arith.index_cast %parallel_loop3A_9 : i32 to index
      %parallel_loop3A_92 = arith.constant 368 : index
      %parallel_loop3A_93 = tpu.vector_load %arg7[%parallel_loop3A_91, %parallel_loop3A_92] {strides = array<i32>} : memref<128x512xf32, #tpu.memory_space<vmem>>, vector<16xf32>,
      %parallel_loop3A_94 = arith.index_cast %parallel_loop3A_9 : i32 to index
      %parallel_loop3A_95 = arith.constant 384 : index
      %parallel_loop3A_96 = tpu.vector_load %arg7[%parallel_loop3A_94, %parallel_loop3A_95] {strides = array<i32>} : memref<128x512xf32, #tpu.memory_space<vmem>>, vector<16xf32>,
      %parallel_loop3A_97 = arith.index_cast %parallel_loop3A_9 : i32 to index
      %parallel_loop3A_98 = arith.constant 400 : index
      %parallel_loop3A_99 = tpu.vector_load %arg7[%parallel_loop3A_97, %parallel_loop3A_98] {strides = array<i32>} : memref<128x512xf32, #tpu.memory_space<vmem>>, vector<16xf32>,
      %parallel_loop3A_100 = arith.index_cast %parallel_loop3A_9 : i32 to index
      %parallel_loop3A_101 = arith.constant 416 : index
      %parallel_loop3A_102 = tpu.vector_load %arg7[%parallel_loop3A_100, %parallel_loop3A_101] {strides = array<i32>} : memref<128x512xf32, #tpu.memory_space<vmem>>, vector<16xf32>,
      %parallel_loop3A_103 = arith.index_cast %parallel_loop3A_9 : i32 to index
      %parallel_loop3A_104 = arith.constant 432 : index
      %parallel_loop3A_105 = tpu.vector_load %arg7[%parallel_loop3A_103, %parallel_loop3A_104] {strides = array<i32>} : memref<128x512xf32, #tpu.memory_space<vmem>>, vector<16xf32>,
      %parallel_loop3A_106 = arith.index_cast %parallel_loop3A_9 : i32 to index
      %parallel_loop3A_107 = arith.constant 448 : index
      %parallel_loop3A_108 = tpu.vector_load %arg7[%parallel_loop3A_106, %parallel_loop3A_107] {strides = array<i32>} : memref<128x512xf32, #tpu.memory_space<vmem>>, vector<16xf32>,
      %parallel_loop3A_109 = arith.index_cast %parallel_loop3A_9 : i32 to index
      %parallel_loop3A_110 = arith.constant 464 : index
      %parallel_loop3A_111 = tpu.vector_load %arg7[%parallel_loop3A_109, %parallel_loop3A_110] {strides = array<i32>} : memref<128x512xf32, #tpu.memory_space<vmem>>, vector<16xf32>,
      %parallel_loop3A_112 = arith.index_cast %parallel_loop3A_9 : i32 to index
      %parallel_loop3A_113 = arith.constant 480 : index
      %parallel_loop3A_114 = tpu.vector_load %arg7[%parallel_loop3A_112, %parallel_loop3A_113] {strides = array<i32>} : memref<128x512xf32, #tpu.memory_space<vmem>>, vector<16xf32>,
      %parallel_loop3A_115 = arith.index_cast %parallel_loop3A_9 : i32 to index
      %parallel_loop3A_116 = arith.constant 496 : index
      %parallel_loop3A_117 = tpu.vector_load %arg7[%parallel_loop3A_115, %parallel_loop3A_116] {strides = array<i32>} : memref<128x512xf32, #tpu.memory_space<vmem>>, vector<16xf32>,
      %parallel_loop3A_118 = arith.mulf %parallel_loop3A_24, %parallel_loop3A_12 : vector<16xf32>
      %parallel_loop3A_119 = arith.mulf %parallel_loop3A_27, %parallel_loop3A_15 : vector<16xf32>
      %parallel_loop3A_120 = arith.addf %parallel_loop3A_118, %parallel_loop3A_119 : vector<16xf32>
      %parallel_loop3A_121 = arith.mulf %parallel_loop3A_30, %parallel_loop3A_18 : vector<16xf32>
      %parallel_loop3A_122 = arith.addf %parallel_loop3A_120, %parallel_loop3A_121 : vector<16xf32>
      %parallel_loop3A_123 = arith.mulf %parallel_loop3A_33, %parallel_loop3A_21 : vector<16xf32>
      %parallel_loop3A_124 = arith.addf %parallel_loop3A_122, %parallel_loop3A_123 : vector<16xf32>
      %parallel_loop3A_125 = arith.constant true
      %parallel_loop3A_126 = vector.broadcast %parallel_loop3A_125 : i1 to vector<16xi1>
      %parallel_loop3A_127 = tpu.scan <sum>, %parallel_loop3A_124 masked %parallel_loop3A_126 : vector<16xf32>, vector<16xi1> -> vector<16xf32>
      %parallel_loop3A_128 = vector.extract %parallel_loop3A_127[15] : f32 from vector<16xf32>
      %parallel_loop3A_129 = arith.mulf %parallel_loop3A_36, %parallel_loop3A_12 : vector<16xf32>
      %parallel_loop3A_130 = arith.mulf %parallel_loop3A_39, %parallel_loop3A_15 : vector<16xf32>
      %parallel_loop3A_131 = arith.addf %parallel_loop3A_129, %parallel_loop3A_130 : vector<16xf32>
      %parallel_loop3A_132 = arith.mulf %parallel_loop3A_42, %parallel_loop3A_18 : vector<16xf32>
      %parallel_loop3A_133 = arith.addf %parallel_loop3A_131, %parallel_loop3A_132 : vector<16xf32>
      %parallel_loop3A_134 = arith.mulf %parallel_loop3A_45, %parallel_loop3A_21 : vector<16xf32>
      %parallel_loop3A_135 = arith.addf %parallel_loop3A_133, %parallel_loop3A_134 : vector<16xf32>
      %parallel_loop3A_136 = arith.constant true
      %parallel_loop3A_137 = vector.broadcast %parallel_loop3A_136 : i1 to vector<16xi1>
      %parallel_loop3A_138 = tpu.scan <sum>, %parallel_loop3A_135 masked %parallel_loop3A_137 : vector<16xf32>, vector<16xi1> -> vector<16xf32>
      %parallel_loop3A_139 = vector.extract %parallel_loop3A_138[15] : f32 from vector<16xf32>
      %parallel_loop3A_140 = arith.mulf %parallel_loop3A_48, %parallel_loop3A_12 : vector<16xf32>
      %parallel_loop3A_141 = arith.mulf %parallel_loop3A_51, %parallel_loop3A_15 : vector<16xf32>
      %parallel_loop3A_142 = arith.addf %parallel_loop3A_140, %parallel_loop3A_141 : vector<16xf32>
      %parallel_loop3A_143 = arith.mulf %parallel_loop3A_54, %parallel_loop3A_18 : vector<16xf32>
      %parallel_loop3A_144 = arith.addf %parallel_loop3A_142, %parallel_loop3A_143 : vector<16xf32>
      %parallel_loop3A_145 = arith.mulf %parallel_loop3A_57, %parallel_loop3A_21 : vector<16xf32>
      %parallel_loop3A_146 = arith.addf %parallel_loop3A_144, %parallel_loop3A_145 : vector<16xf32>
      %parallel_loop3A_147 = arith.constant true
      %parallel_loop3A_148 = vector.broadcast %parallel_loop3A_147 : i1 to vector<16xi1>
      %parallel_loop3A_149 = tpu.scan <sum>, %parallel_loop3A_146 masked %parallel_loop3A_148 : vector<16xf32>, vector<16xi1> -> vector<16xf32>
      %parallel_loop3A_150 = vector.extract %parallel_loop3A_149[15] : f32 from vector<16xf32>
      %parallel_loop3A_151 = arith.mulf %parallel_loop3A_60, %parallel_loop3A_12 : vector<16xf32>
      %parallel_loop3A_152 = arith.mulf %parallel_loop3A_63, %parallel_loop3A_15 : vector<16xf32>
      %parallel_loop3A_153 = arith.addf %parallel_loop3A_151, %parallel_loop3A_152 : vector<16xf32>
      %parallel_loop3A_154 = arith.mulf %parallel_loop3A_66, %parallel_loop3A_18 : vector<16xf32>
      %parallel_loop3A_155 = arith.addf %parallel_loop3A_153, %parallel_loop3A_154 : vector<16xf32>
      %parallel_loop3A_156 = arith.mulf %parallel_loop3A_69, %parallel_loop3A_21 : vector<16xf32>
      %parallel_loop3A_157 = arith.addf %parallel_loop3A_155, %parallel_loop3A_156 : vector<16xf32>
      %parallel_loop3A_158 = arith.constant true
      %parallel_loop3A_159 = vector.broadcast %parallel_loop3A_158 : i1 to vector<16xi1>
      %parallel_loop3A_160 = tpu.scan <sum>, %parallel_loop3A_157 masked %parallel_loop3A_159 : vector<16xf32>, vector<16xi1> -> vector<16xf32>
      %parallel_loop3A_161 = vector.extract %parallel_loop3A_160[15] : f32 from vector<16xf32>
      %parallel_loop3A_162 = arith.mulf %parallel_loop3A_72, %parallel_loop3A_12 : vector<16xf32>
      %parallel_loop3A_163 = arith.mulf %parallel_loop3A_75, %parallel_loop3A_15 : vector<16xf32>
      %parallel_loop3A_164 = arith.addf %parallel_loop3A_162, %parallel_loop3A_163 : vector<16xf32>
      %parallel_loop3A_165 = arith.mulf %parallel_loop3A_78, %parallel_loop3A_18 : vector<16xf32>
      %parallel_loop3A_166 = arith.addf %parallel_loop3A_164, %parallel_loop3A_165 : vector<16xf32>
      %parallel_loop3A_167 = arith.mulf %parallel_loop3A_81, %parallel_loop3A_21 : vector<16xf32>
      %parallel_loop3A_168 = arith.addf %parallel_loop3A_166, %parallel_loop3A_167 : vector<16xf32>
      %parallel_loop3A_169 = arith.constant true
      %parallel_loop3A_170 = vector.broadcast %parallel_loop3A_169 : i1 to vector<16xi1>
      %parallel_loop3A_171 = tpu.scan <sum>, %parallel_loop3A_168 masked %parallel_loop3A_170 : vector<16xf32>, vector<16xi1> -> vector<16xf32>
      %parallel_loop3A_172 = vector.extract %parallel_loop3A_171[15] : f32 from vector<16xf32>
      %parallel_loop3A_173 = arith.mulf %parallel_loop3A_84, %parallel_loop3A_12 : vector<16xf32>
      %parallel_loop3A_174 = arith.mulf %parallel_loop3A_87, %parallel_loop3A_15 : vector<16xf32>
      %parallel_loop3A_175 = arith.addf %parallel_loop3A_173, %parallel_loop3A_174 : vector<16xf32>
      %parallel_loop3A_176 = arith.mulf %parallel_loop3A_90, %parallel_loop3A_18 : vector<16xf32>
      %parallel_loop3A_177 = arith.addf %parallel_loop3A_175, %parallel_loop3A_176 : vector<16xf32>
      %parallel_loop3A_178 = arith.mulf %parallel_loop3A_93, %parallel_loop3A_21 : vector<16xf32>
      %parallel_loop3A_179 = arith.addf %parallel_loop3A_177, %parallel_loop3A_178 : vector<16xf32>
      %parallel_loop3A_180 = arith.constant true
      %parallel_loop3A_181 = vector.broadcast %parallel_loop3A_180 : i1 to vector<16xi1>
      %parallel_loop3A_182 = tpu.scan <sum>, %parallel_loop3A_179 masked %parallel_loop3A_181 : vector<16xf32>, vector<16xi1> -> vector<16xf32>
      %parallel_loop3A_183 = vector.extract %parallel_loop3A_182[15] : f32 from vector<16xf32>
      %parallel_loop3A_184 = arith.mulf %parallel_loop3A_96, %parallel_loop3A_12 : vector<16xf32>
      %parallel_loop3A_185 = arith.mulf %parallel_loop3A_99, %parallel_loop3A_15 : vector<16xf32>
      %parallel_loop3A_186 = arith.addf %parallel_loop3A_184, %parallel_loop3A_185 : vector<16xf32>
      %parallel_loop3A_187 = arith.mulf %parallel_loop3A_102, %parallel_loop3A_18 : vector<16xf32>
      %parallel_loop3A_188 = arith.addf %parallel_loop3A_186, %parallel_loop3A_187 : vector<16xf32>
      %parallel_loop3A_189 = arith.mulf %parallel_loop3A_105, %parallel_loop3A_21 : vector<16xf32>
      %parallel_loop3A_190 = arith.addf %parallel_loop3A_188, %parallel_loop3A_189 : vector<16xf32>
      %parallel_loop3A_191 = arith.constant true
      %parallel_loop3A_192 = vector.broadcast %parallel_loop3A_191 : i1 to vector<16xi1>
      %parallel_loop3A_193 = tpu.scan <sum>, %parallel_loop3A_190 masked %parallel_loop3A_192 : vector<16xf32>, vector<16xi1> -> vector<16xf32>
      %parallel_loop3A_194 = vector.extract %parallel_loop3A_193[15] : f32 from vector<16xf32>
      %parallel_loop3A_195 = arith.mulf %parallel_loop3A_108, %parallel_loop3A_12 : vector<16xf32>
      %parallel_loop3A_196 = arith.mulf %parallel_loop3A_111, %parallel_loop3A_15 : vector<16xf32>
      %parallel_loop3A_197 = arith.addf %parallel_loop3A_195, %parallel_loop3A_196 : vector<16xf32>
      %parallel_loop3A_198 = arith.mulf %parallel_loop3A_114, %parallel_loop3A_18 : vector<16xf32>
      %parallel_loop3A_199 = arith.addf %parallel_loop3A_197, %parallel_loop3A_198 : vector<16xf32>
      %parallel_loop3A_200 = arith.mulf %parallel_loop3A_117, %parallel_loop3A_21 : vector<16xf32>
      %parallel_loop3A_201 = arith.addf %parallel_loop3A_199, %parallel_loop3A_200 : vector<16xf32>
      %parallel_loop3A_202 = arith.constant true
      %parallel_loop3A_203 = vector.broadcast %parallel_loop3A_202 : i1 to vector<16xi1>
      %parallel_loop3A_204 = tpu.scan <sum>, %parallel_loop3A_201 masked %parallel_loop3A_203 : vector<16xf32>, vector<16xi1> -> vector<16xf32>
      %parallel_loop3A_205 = vector.extract %parallel_loop3A_204[15] : f32 from vector<16xf32>
      %parallel_loop3A_206 = arith.maximumf %parallel_loop3A_128, %parallel_loop3A_139 : f32
      %parallel_loop3A_207 = arith.maximumf %parallel_loop3A_206, %parallel_loop3A_150 : f32
      %parallel_loop3A_208 = arith.maximumf %parallel_loop3A_207, %parallel_loop3A_161 : f32
      %parallel_loop3A_209 = arith.maximumf %parallel_loop3A_208, %parallel_loop3A_172 : f32
      %parallel_loop3A_210 = arith.maximumf %parallel_loop3A_209, %parallel_loop3A_183 : f32
      %parallel_loop3A_211 = arith.maximumf %parallel_loop3A_210, %parallel_loop3A_194 : f32
      %parallel_loop3A_212 = arith.maximumf %parallel_loop3A_211, %parallel_loop3A_205 : f32
      %parallel_loop3A_213 = arith.constant 0.000000e+00 : f32
      %parallel_loop3A_214 = vector.broadcast %parallel_loop3A_213 : f32 to vector<16xf32>
      %parallel_loop3A_215 = arith.subf %parallel_loop3A_128, %parallel_loop3A_212 : f32
      %parallel_loop3A_216 = vector.broadcast %parallel_loop3A_215 : f32 to vector<16xf32>
      %parallel_loop3A_217 = arith.addf %parallel_loop3A_214, %parallel_loop3A_216 : vector<16xf32>
      %parallel_loop3A_218 = math.exp %parallel_loop3A_217 : vector<16xf32>
      %parallel_loop3A_219 = arith.subf %parallel_loop3A_139, %parallel_loop3A_212 : f32
      %parallel_loop3A_220 = vector.broadcast %parallel_loop3A_219 : f32 to vector<16xf32>
      %parallel_loop3A_221 = arith.addf %parallel_loop3A_214, %parallel_loop3A_220 : vector<16xf32>
      %parallel_loop3A_222 = math.exp %parallel_loop3A_221 : vector<16xf32>
      %parallel_loop3A_223 = arith.subf %parallel_loop3A_150, %parallel_loop3A_212 : f32
      %parallel_loop3A_224 = vector.broadcast %parallel_loop3A_223 : f32 to vector<16xf32>
      %parallel_loop3A_225 = arith.addf %parallel_loop3A_214, %parallel_loop3A_224 : vector<16xf32>
      %parallel_loop3A_226 = math.exp %parallel_loop3A_225 : vector<16xf32>
      %parallel_loop3A_227 = arith.subf %parallel_loop3A_161, %parallel_loop3A_212 : f32
      %parallel_loop3A_228 = vector.broadcast %parallel_loop3A_227 : f32 to vector<16xf32>
      %parallel_loop3A_229 = arith.addf %parallel_loop3A_214, %parallel_loop3A_228 : vector<16xf32>
      %parallel_loop3A_230 = math.exp %parallel_loop3A_229 : vector<16xf32>
      %parallel_loop3A_231 = arith.subf %parallel_loop3A_172, %parallel_loop3A_212 : f32
      %parallel_loop3A_232 = vector.broadcast %parallel_loop3A_231 : f32 to vector<16xf32>
      %parallel_loop3A_233 = arith.addf %parallel_loop3A_214, %parallel_loop3A_232 : vector<16xf32>
      %parallel_loop3A_234 = math.exp %parallel_loop3A_233 : vector<16xf32>
      %parallel_loop3A_235 = arith.subf %parallel_loop3A_183, %parallel_loop3A_212 : f32
      %parallel_loop3A_236 = vector.broadcast %parallel_loop3A_235 : f32 to vector<16xf32>
      %parallel_loop3A_237 = arith.addf %parallel_loop3A_214, %parallel_loop3A_236 : vector<16xf32>
      %parallel_loop3A_238 = math.exp %parallel_loop3A_237 : vector<16xf32>
      %parallel_loop3A_239 = arith.subf %parallel_loop3A_194, %parallel_loop3A_212 : f32
      %parallel_loop3A_240 = vector.broadcast %parallel_loop3A_239 : f32 to vector<16xf32>
      %parallel_loop3A_241 = arith.addf %parallel_loop3A_214, %parallel_loop3A_240 : vector<16xf32>
      %parallel_loop3A_242 = math.exp %parallel_loop3A_241 : vector<16xf32>
      %parallel_loop3A_243 = arith.subf %parallel_loop3A_205, %parallel_loop3A_212 : f32
      %parallel_loop3A_244 = vector.broadcast %parallel_loop3A_243 : f32 to vector<16xf32>
      %parallel_loop3A_245 = arith.addf %parallel_loop3A_214, %parallel_loop3A_244 : vector<16xf32>
      %parallel_loop3A_246 = math.exp %parallel_loop3A_245 : vector<16xf32>
      %parallel_loop3A_247 = arith.addf %parallel_loop3A_218, %parallel_loop3A_222 : vector<16xf32>
      %parallel_loop3A_248 = arith.addf %parallel_loop3A_247, %parallel_loop3A_226 : vector<16xf32>
      %parallel_loop3A_249 = arith.addf %parallel_loop3A_248, %parallel_loop3A_230 : vector<16xf32>
      %parallel_loop3A_250 = arith.addf %parallel_loop3A_249, %parallel_loop3A_234 : vector<16xf32>
      %parallel_loop3A_251 = arith.addf %parallel_loop3A_250, %parallel_loop3A_238 : vector<16xf32>
      %parallel_loop3A_252 = arith.addf %parallel_loop3A_251, %parallel_loop3A_242 : vector<16xf32>
      %parallel_loop3A_253 = arith.addf %parallel_loop3A_252, %parallel_loop3A_246 : vector<16xf32>
      %parallel_loop3A_254 = arith.mulf %parallel_loop3A_218, %parallel_loop3A_24 : vector<16xf32>
      %parallel_loop3A_255 = arith.mulf %parallel_loop3A_222, %parallel_loop3A_36 : vector<16xf32>
      %parallel_loop3A_256 = arith.addf %parallel_loop3A_254, %parallel_loop3A_255 : vector<16xf32>
      %parallel_loop3A_257 = arith.mulf %parallel_loop3A_226, %parallel_loop3A_48 : vector<16xf32>
      %parallel_loop3A_258 = arith.addf %parallel_loop3A_256, %parallel_loop3A_257 : vector<16xf32>
      %parallel_loop3A_259 = arith.mulf %parallel_loop3A_230, %parallel_loop3A_60 : vector<16xf32>
      %parallel_loop3A_260 = arith.addf %parallel_loop3A_258, %parallel_loop3A_259 : vector<16xf32>
      %parallel_loop3A_261 = arith.mulf %parallel_loop3A_234, %parallel_loop3A_72 : vector<16xf32>
      %parallel_loop3A_262 = arith.addf %parallel_loop3A_260, %parallel_loop3A_261 : vector<16xf32>
      %parallel_loop3A_263 = arith.mulf %parallel_loop3A_238, %parallel_loop3A_84 : vector<16xf32>
      %parallel_loop3A_264 = arith.addf %parallel_loop3A_262, %parallel_loop3A_263 : vector<16xf32>
      %parallel_loop3A_265 = arith.mulf %parallel_loop3A_242, %parallel_loop3A_96 : vector<16xf32>
      %parallel_loop3A_266 = arith.addf %parallel_loop3A_264, %parallel_loop3A_265 : vector<16xf32>
      %parallel_loop3A_267 = arith.mulf %parallel_loop3A_246, %parallel_loop3A_108 : vector<16xf32>
      %parallel_loop3A_268 = arith.addf %parallel_loop3A_266, %parallel_loop3A_267 : vector<16xf32>
      %parallel_loop3A_269 = arith.divf %parallel_loop3A_268, %parallel_loop3A_253 : vector<16xf32>
      %parallel_loop3A_270 = arith.index_cast %parallel_loop3A_9 : i32 to index
      %parallel_loop3A_271 = arith.constant 0 : index
      %parallel_loop3A_272 = tpu.vector_load %arg9[%parallel_loop3A_270, %parallel_loop3A_271] {strides = array<i32>} : memref<128x64xf32, #tpu.memory_space<vmem>>, vector<16xf32>,
      tpu.vector_store %arg9[%parallel_loop3A_270, %parallel_loop3A_271], %parallel_loop3A_269 {strides = array<i32>} : memref<128x64xf32, #tpu.memory_space<vmem>>, vector<16xf32>,
      %parallel_loop3A_273 = arith.mulf %parallel_loop3A_218, %parallel_loop3A_27 : vector<16xf32>
      %parallel_loop3A_274 = arith.mulf %parallel_loop3A_222, %parallel_loop3A_39 : vector<16xf32>
      %parallel_loop3A_275 = arith.addf %parallel_loop3A_273, %parallel_loop3A_274 : vector<16xf32>
      %parallel_loop3A_276 = arith.mulf %parallel_loop3A_226, %parallel_loop3A_51 : vector<16xf32>
      %parallel_loop3A_277 = arith.addf %parallel_loop3A_275, %parallel_loop3A_276 : vector<16xf32>
      %parallel_loop3A_278 = arith.mulf %parallel_loop3A_230, %parallel_loop3A_63 : vector<16xf32>
      %parallel_loop3A_279 = arith.addf %parallel_loop3A_277, %parallel_loop3A_278 : vector<16xf32>
      %parallel_loop3A_280 = arith.mulf %parallel_loop3A_234, %parallel_loop3A_75 : vector<16xf32>
      %parallel_loop3A_281 = arith.addf %parallel_loop3A_279, %parallel_loop3A_280 : vector<16xf32>
      %parallel_loop3A_282 = arith.mulf %parallel_loop3A_238, %parallel_loop3A_87 : vector<16xf32>
      %parallel_loop3A_283 = arith.addf %parallel_loop3A_281, %parallel_loop3A_282 : vector<16xf32>
      %parallel_loop3A_284 = arith.mulf %parallel_loop3A_242, %parallel_loop3A_99 : vector<16xf32>
      %parallel_loop3A_285 = arith.addf %parallel_loop3A_283, %parallel_loop3A_284 : vector<16xf32>
      %parallel_loop3A_286 = arith.mulf %parallel_loop3A_246, %parallel_loop3A_111 : vector<16xf32>
      %parallel_loop3A_287 = arith.addf %parallel_loop3A_285, %parallel_loop3A_286 : vector<16xf32>
      %parallel_loop3A_288 = arith.divf %parallel_loop3A_287, %parallel_loop3A_253 : vector<16xf32>
      %parallel_loop3A_289 = arith.index_cast %parallel_loop3A_9 : i32 to index
      %parallel_loop3A_290 = arith.constant 16 : index
      %parallel_loop3A_291 = tpu.vector_load %arg9[%parallel_loop3A_289, %parallel_loop3A_290] {strides = array<i32>} : memref<128x64xf32, #tpu.memory_space<vmem>>, vector<16xf32>,
      tpu.vector_store %arg9[%parallel_loop3A_289, %parallel_loop3A_290], %parallel_loop3A_288 {strides = array<i32>} : memref<128x64xf32, #tpu.memory_space<vmem>>, vector<16xf32>,
      %parallel_loop3A_292 = arith.mulf %parallel_loop3A_218, %parallel_loop3A_30 : vector<16xf32>
      %parallel_loop3A_293 = arith.mulf %parallel_loop3A_222, %parallel_loop3A_42 : vector<16xf32>
      %parallel_loop3A_294 = arith.addf %parallel_loop3A_292, %parallel_loop3A_293 : vector<16xf32>
      %parallel_loop3A_295 = arith.mulf %parallel_loop3A_226, %parallel_loop3A_54 : vector<16xf32>
      %parallel_loop3A_296 = arith.addf %parallel_loop3A_294, %parallel_loop3A_295 : vector<16xf32>
      %parallel_loop3A_297 = arith.mulf %parallel_loop3A_230, %parallel_loop3A_66 : vector<16xf32>
      %parallel_loop3A_298 = arith.addf %parallel_loop3A_296, %parallel_loop3A_297 : vector<16xf32>
      %parallel_loop3A_299 = arith.mulf %parallel_loop3A_234, %parallel_loop3A_78 : vector<16xf32>
      %parallel_loop3A_300 = arith.addf %parallel_loop3A_298, %parallel_loop3A_299 : vector<16xf32>
      %parallel_loop3A_301 = arith.mulf %parallel_loop3A_238, %parallel_loop3A_90 : vector<16xf32>
      %parallel_loop3A_302 = arith.addf %parallel_loop3A_300, %parallel_loop3A_301 : vector<16xf32>
      %parallel_loop3A_303 = arith.mulf %parallel_loop3A_242, %parallel_loop3A_102 : vector<16xf32>
      %parallel_loop3A_304 = arith.addf %parallel_loop3A_302, %parallel_loop3A_303 : vector<16xf32>
      %parallel_loop3A_305 = arith.mulf %parallel_loop3A_246, %parallel_loop3A_114 : vector<16xf32>
      %parallel_loop3A_306 = arith.addf %parallel_loop3A_304, %parallel_loop3A_305 : vector<16xf32>
      %parallel_loop3A_307 = arith.divf %parallel_loop3A_306, %parallel_loop3A_253 : vector<16xf32>
      %parallel_loop3A_308 = arith.index_cast %parallel_loop3A_9 : i32 to index
      %parallel_loop3A_309 = arith.constant 32 : index
      %parallel_loop3A_310 = tpu.vector_load %arg9[%parallel_loop3A_308, %parallel_loop3A_309] {strides = array<i32>} : memref<128x64xf32, #tpu.memory_space<vmem>>, vector<16xf32>,
      tpu.vector_store %arg9[%parallel_loop3A_308, %parallel_loop3A_309], %parallel_loop3A_307 {strides = array<i32>} : memref<128x64xf32, #tpu.memory_space<vmem>>, vector<16xf32>,
      %parallel_loop3A_311 = arith.mulf %parallel_loop3A_218, %parallel_loop3A_33 : vector<16xf32>
      %parallel_loop3A_312 = arith.mulf %parallel_loop3A_222, %parallel_loop3A_45 : vector<16xf32>
      %parallel_loop3A_313 = arith.addf %parallel_loop3A_311, %parallel_loop3A_312 : vector<16xf32>
      %parallel_loop3A_314 = arith.mulf %parallel_loop3A_226, %parallel_loop3A_57 : vector<16xf32>
      %parallel_loop3A_315 = arith.addf %parallel_loop3A_313, %parallel_loop3A_314 : vector<16xf32>
      %parallel_loop3A_316 = arith.mulf %parallel_loop3A_230, %parallel_loop3A_69 : vector<16xf32>
      %parallel_loop3A_317 = arith.addf %parallel_loop3A_315, %parallel_loop3A_316 : vector<16xf32>
      %parallel_loop3A_318 = arith.mulf %parallel_loop3A_234, %parallel_loop3A_81 : vector<16xf32>
      %parallel_loop3A_319 = arith.addf %parallel_loop3A_317, %parallel_loop3A_318 : vector<16xf32>
      %parallel_loop3A_320 = arith.mulf %parallel_loop3A_238, %parallel_loop3A_93 : vector<16xf32>
      %parallel_loop3A_321 = arith.addf %parallel_loop3A_319, %parallel_loop3A_320 : vector<16xf32>
      %parallel_loop3A_322 = arith.mulf %parallel_loop3A_242, %parallel_loop3A_105 : vector<16xf32>
      %parallel_loop3A_323 = arith.addf %parallel_loop3A_321, %parallel_loop3A_322 : vector<16xf32>
      %parallel_loop3A_324 = arith.mulf %parallel_loop3A_246, %parallel_loop3A_117 : vector<16xf32>
      %parallel_loop3A_325 = arith.addf %parallel_loop3A_323, %parallel_loop3A_324 : vector<16xf32>
      %parallel_loop3A_326 = arith.divf %parallel_loop3A_325, %parallel_loop3A_253 : vector<16xf32>
      %parallel_loop3A_327 = arith.index_cast %parallel_loop3A_9 : i32 to index
      %parallel_loop3A_328 = arith.constant 48 : index
      %parallel_loop3A_329 = tpu.vector_load %arg9[%parallel_loop3A_327, %parallel_loop3A_328] {strides = array<i32>} : memref<128x64xf32, #tpu.memory_space<vmem>>, vector<16xf32>,
      tpu.vector_store %arg9[%parallel_loop3A_327, %parallel_loop3A_328], %parallel_loop3A_326 {strides = array<i32>} : memref<128x64xf32, #tpu.memory_space<vmem>>, vector<16xf32>,
    } {sc.loop_unroll_factor = 8 : i64, sc.parallel_access}
    "tpu.region"() ({
      %run_scoped3A = tpu.sem_alloc : memref<!tpu.dma_semaphore, #tpu.memory_space<semaphore_mem>>
      %dma_start3A_9 = arith.constant 0 : i32
      %dma_start3A_10 = tpu.memref_slice %arg5[%mul3A_2, %dma_start3A_9] : memref<4096x64xf32, #tpu.memory_space<hbm>> -> memref<128x64xf32, #tpu.memory_space<hbm>>
      %dma_start3A_11 = arith.constant 0 : i32
      %dma_start3A_12 = tpu.memref_slice %arg5[%mul3A_2, %dma_start3A_11] : memref<4096x64xf32, #tpu.memory_space<hbm>> -> memref<128x64xf32, #tpu.memory_space<hbm>>
      tpu.enqueue_dma source(%arg9 : memref<128x64xf32, #tpu.memory_space<vmem>>) target(%dma_start3A_12 : memref<128x64xf32, #tpu.memory_space<hbm>>) target_semaphore(%run_scoped3A : memref<!tpu.dma_semaphore, #tpu.memory_space<semaphore_mem>>)
      %dma_wait3A_13 = arith.constant 0 : i32
      %dma_wait3A_14 = tpu.memref_slice %arg5[%mul3A_2, %dma_wait3A_13] : memref<4096x64xf32, #tpu.memory_space<hbm>> -> memref<128x64xf32, #tpu.memory_space<hbm>>
      %dma_wait3A_15 = arith.constant 0 : i32
      %dma_wait3A_16 = tpu.memref_slice %arg5[%mul3A_2, %dma_wait3A_15] : memref<4096x64xf32, #tpu.memory_space<hbm>> -> memref<128x64xf32, #tpu.memory_space<hbm>>
      tpu.wait_dma2 semaphore(%run_scoped3A : memref<!tpu.dma_semaphore, #tpu.memory_space<semaphore_mem>>) src(%arg9 : memref<128x64xf32, #tpu.memory_space<vmem>>) dst(%dma_wait3A_16 : memref<128x64xf32, #tpu.memory_space<hbm>>)
      tpu.yield
    }) : () -> ()
    return
  }
}

</mosaic_0001>

<sc_bundles>
// kernel: kernel.3.cloned.1.call-start
scs
__scs_entry_jumppad:
0x0: {  	(pc) =	sbr.rel $0x88, $3  }
0x1: {  	(tag) =	ssettag $0x0;
	lr =	simm.s32 $0x1  }
0x2: {  	[smem:$0x3F9E] =	sst lr;
	_ =	strace $0xD0000000  }
0x3: {  	_ = 	snop  }
0x4: {  	_ = 	snop  }
0x5: {  	_ = 	snop  }
0x6: {  	_ = 	snop  }
0x7: {  	_ = 	snop  }
__scs_overlays_trampoline_lowered:
0x8: {  	[smem:$0x3FAD] =	sst s0  }
0x9: {  	[smem:$0x3FAE] =	sst s1  }
0xa: {  	[smem:$0x3FAF] =	sst s2  }
0xb: {  	[smem:$0x3FB0] =	sst s3  }
0xc: {  	[smem:$0x3FB1] =	sst s4  }
0xd: {  	[smem:$0x3FB2] =	sst s5  }
0xe: {  	[smem:$0x3FB3] =	sst s6  }
0xf: {  	[smem:$0x3FB4] =	sst s7  }
0x10: {  	[smem:$0x3FB5] =	sst s8  }
0x11: {  	[smem:$0x3FB6] =	sst s9;
	s0 =	simm.s32 @!p0 $0x0  }
0x12: {  	s1 =	sld [smem:$0x3F9C];
	s0 =	simm.s32 @p0 $0x1  }
0x13: {  	[smem:$0x3FB7] =	sst s0;
	s0 =	simm.s32 @!p1 $0x0  }
0x14: {  	s2 =	sld [smem:$0x3F9B];
	s0 =	simm.s32 @p1 $0x1  }
0x15: {  	[smem:$0x3FB8] =	sst s0;
	s0 =	simm.s32 @!p2 $0x0  }
0x16: {  	s3 =	sld [smem:$0x3FDB];
	s0 =	simm.s32 @p2 $0x1  }
0x17: {  	s4 =	simm.s32 $0x1BF5;
	[smem:$0x3FBA] =	sst s0  }
0x18: {  	s0 =	sld [smem:$0x3F9D];
	_ =	swait.ge [sflag:s4], $0x0  }
0x19: {  	s7 =	sld [smem:$0x3F9E]  }
0x1a: {  	s8 =	sadd.s32 $0xFFFFE003, lr  }
0x1b: {  	s9 =	sadd.s32 $0xFFFFFEF7, lr;
	s5 =	simm.s32 $0xFFFFFFFF;
	p2 =	slt.u32 s8, $0xFFFFF086  }
0x1c: {  	p1 =	slt.u32 s9, $0xF7A;
	s5 =	simm.s32 @!p2 $0x0  }
0x1d: {  	s5 =	simm.s32 @p1 $0x1;
	p0 =	seq.s32 s7, s2  }
0x1e: {  	s7 =	smul.u32 @!p0 $0xF7A, s2;
	p2 =	seq.s32 @!p0 s5, $0x0  }
0x1f: {  	s9 =	smul.u32 $0xF7A, s1;
	s8 =	simm.s32 @!p0 $0x1BF5;
	p2 =	por !p2, p0  }
0x20: {  	[sflag:s8] =	ssyncset.s32 @!p0 $0xFFFFF086;
	s6 =	sadd.s32 @!p0 s3, s7;
	s7 =	simm.s32 @!p0 $0x108  }
0x21: {  	s3 =	sadd.s32 s3, s9;
	s6 =	sadd.s32 @!p0 $0x88, s6;
	s7 =	simm.s32 @p2 $0x1082  }
0x22: {  	[simem:s7], [sflag:s8] =	dma.local @!p0 [hbm:s6], $0xF7A  }
0x23: {  	s9 =	sor.u32 $0xD0000000, s2;
	s6 =	simm.s32 $0x108;
	_ =	swait.ge @!p0 [sflag:s8], $0x0  }
0x24: {  	s3 =	sadd.s32 $0x88, s3;
	s6 =	simm.s32 @!p1 $0x1082;
	[sflag:s4] =	ssyncset.s32 $0xFFFFF086  }
0x25: {  	[simem:s6], [sflag:s4] =	dma.local [hbm:s3], $0xF7A  }
0x26: {  	[smem:$0x3F9E] =	sst s1;
	(tag) =	ssettag s2;
	_ =	strace s9  }
0x27: {  	s1 =	sld [smem:$0x3FAE]  }
0x28: {  	s2 =	sld [smem:$0x3FAF]  }
0x29: {  	s4 =	sld [smem:$0x3FB1]  }
0x2a: {  	p0 =	seq.s32 s5, $0x0;
	s5 =	sld [smem:$0x3FB2]  }
0x2b: {  	s6 =	sld [smem:$0x3FB3]  }
0x2c: {  	s7 =	sld [smem:$0x3FB4]  }
0x2d: {  	s3 =	simm.s32 $0x108;
	s8 =	sld [smem:$0x3FB5]  }
0x2e: {  	s3 =	simm.s32 @!p0 $0x1082;
	s9 =	sld [smem:$0x3FB6]  }
0x2f: {  	lr =	sadd.s32 s0, s3;
	s0 =	sld [smem:$0x3FAD]  }
0x30: {  	s3 =	sld [smem:$0x3FB0]  }
0x31: {  	[smem:$0x3FB9] =	sst s10  }
0x32: {  	s10 =	sld [smem:$0x3FB7];
	_ =	sdelay $0x3  }
0x33: {  	p0 =	seq.s32 s10, $0x1;
	s10 =	sld [smem:$0x3FB9];
	_ =	sdelay $0x3  }
0x34: {  	[smem:$0x3FB9] =	sst s10  }
0x35: {  	s10 =	sld [smem:$0x3FB8];
	_ =	sdelay $0x3  }
0x36: {  	p1 =	seq.s32 s10, $0x1;
	s10 =	sld [smem:$0x3FB9];
	_ =	sdelay $0x3  }
0x37: {  	[smem:$0x3FB9] =	sst s10  }
0x38: {  	s10 =	sld [smem:$0x3FBA]  }
0x39: {  	_ = 	snop;
	(pc) =	sbr.ind lr, $3  }
0x3a: {  	_ = 	snop  }
0x3b: {  	_ = 	snop  }
0x3c: {  	p2 =	seq.s32 s10, $0x1;
	s10 =	sld [smem:$0x3FB9]  }
0x3d: {  	_ =	shalt  }
0x3e: {  	_ =	shalt  }
0x3f: {  	_ =	shalt  }
0x40: {  	_ =	shalt  }
0x41: {  	_ =	shalt  }
0x42: {  	_ =	shalt  }
0x43: {  	_ =	shalt  }
0x44: {  	_ =	shalt  }
0x45: {  	_ =	shalt  }
0x46: {  	_ =	shalt  }
0x47: {  	_ =	shalt  }
0x48: {  	_ =	shalt  }
0x49: {  	_ =	shalt  }
0x4a: {  	_ =	shalt  }
0x4b: {  	_ =	shalt  }
0x4c: {  	_ =	shalt  }
0x4d: {  	_ =	shalt  }
0x4e: {  	_ =	shalt  }
0x4f: {  	_ =	shalt  }
0x50: {  	_ =	shalt  }
0x51: {  	_ =	shalt  }
0x52: {  	_ =	shalt  }
0x53: {  	_ =	shalt  }
0x54: {  	_ =	shalt  }
0x55: {  	_ =	shalt  }
0x56: {  	_ =	shalt  }
0x57: {  	_ =	shalt  }
0x58: {  	_ =	shalt  }
0x59: {  	_ =	shalt  }
0x5a: {  	_ =	shalt  }
0x5b: {  	_ =	shalt  }
0x5c: {  	_ =	shalt  }
0x5d: {  	_ =	shalt  }
0x5e: {  	_ =	shalt  }
0x5f: {  	_ =	shalt  }
0x60: {  	_ =	shalt  }
0x61: {  	_ =	shalt  }
0x62: {  	_ =	shalt  }
0x63: {  	_ =	shalt  }
0x64: {  	_ =	shalt  }
0x65: {  	_ =	shalt  }
0x66: {  	_ =	shalt  }
0x67: {  	_ =	shalt  }
0x68: {  	_ =	shalt  }
0x69: {  	_ =	shalt  }
0x6a: {  	_ =	shalt  }
0x6b: {  	_ =	shalt  }
0x6c: {  	_ =	shalt  }
0x6d: {  	_ =	shalt  }
0x6e: {  	_ =	shalt  }
0x6f: {  	_ =	shalt  }
0x70: {  	_ =	shalt  }
0x71: {  	_ =	shalt  }
0x72: {  	_ =	shalt  }
0x73: {  	_ =	shalt  }
0x74: {  	_ =	shalt  }
0x75: {  	_ =	shalt  }
0x76: {  	_ =	shalt  }
0x77: {  	_ =	shalt  }
0x78: {  	_ =	shalt  }
0x79: {  	_ =	shalt  }
0x7a: {  	_ =	shalt  }
0x7b: {  	_ =	shalt  }
0x7c: {  	_ =	shalt  }
0x7d: {  	_ =	shalt  }
0x7e: {  	_ =	shalt  }
0x7f: {  	_ =	shalt  }
0x80: {  	_ =	shalt  }
0x81: {  	_ =	shalt  }
0x82: {  	_ =	shalt  }
0x83: {  	_ =	shalt  }
0x84: {  	_ =	shalt  }
0x85: {  	_ =	shalt  }
0x86: {  	_ =	shalt  }
0x87: {  	_ =	shalt  }
.Lfunc_end0:
.L_simem_size_0:
called_computation_lowered:
.L_overlay_start_0:
0x88: {  	s2 =	sld [smem:$0x3FD9]  }
0x89: {  	s3 =	sld [smem:$0x3FFE];
	_ =	sdelay $0x1  }
0x8a: {  	s1 =	srdreg.scid  }
0x8b: {  	s0 =	sand.u32 $0x1, s1  }
0x8c: {  	s17 =	sshll.u32 s0, $0xA;
	s2 =	sadd.s32 s3, s2  }
0x8d: {  	s2 =	sadd.s32 s2, s17  }
0x8e: {  	[smem:$0x3FC5] =	sst s2  }
0x8f: {  	_ = 	snop  }
0x90: {  	s2 =	sld [smem:$0x3FC9];
	(tm) =	ssettm $0x1  }
0x91: {  	s18 =	sld [smem:$0x3FFB];
	_ =	sdelay $0x3  }
0x92: {  	_ =	strace s18  }
0x93: {  	s3 =	sld [smem:$0x3FFC];
	_ =	sdelay $0x3  }
0x94: {  	_ =	strace s3  }
0x95: {  	s3 =	sld [smem:$0x3FFD];
	_ =	sdelay $0x3  }
0x96: {  	_ =	strace s3  }
0x97: {  	_ =	strace $0x8FFFFFFF  }
0x98: {  	s19 =	sld [smem:$0x3FDB];
	_ =	sdelay $0x1  }
0x99: {  	s4 =	simm.s32 $_scs_section_size  }
0x9a: {  	s5 =	simm.s32 $_size__tile_overlayer_lowered;
	s6 =	simm.s32 $_tile_overlayer_lowered  }
0x9b: {  	s22 =	simm.s32 $0x1BFF;
	s21 =	sshll.u32 s6, $0x1;
	s3 =	sadd.s32 s4, s19  }
0x9c: {  	s7 =	simm.s32 $0x0;
	s20 =	sshll.u32 s5, $0x1;
	s5 =	sadd.s32 s21, s3  }
0x9d: {  	[timem:s7], [sflag:s22] =	dma.local [hbm:s5], s20  }
0x9e: {  	_ =	swait.ge [sflag:s22], s20  }
0x9f: {  	s4 =	ssub.s32 $0x0, s20;
	[sflag:s22] =	ssyncset.done $0x0  }
0xa0: {  	[sflag:s22] =	ssyncadd.s32 s4;
	_ =	sdelay $0x1  }
0xa1: {  	s23 =	simm.s32 $0x1B8B  }
0xa2: {  	_ =	swait.ge [sflag:s23], $0x1  }
0xa3: {  	[sflag:s23] =	ssyncset.done $0x0  }
0xa4: {  	s25 =	simm.s32 $0x1B8E;
	s24 =	sld [smem:$0x3FFE];
	[sflag:s23] =	ssyncadd.s32 $0xFFFFFFFF  }
0xa5: {  	s26 =	simm.s32 $execute0_lowered;
	[smem:$0x3FD2] =	sst s25  }
0xa6: {  	s5 =	sshll.u32 s26, $0x1;
	_ =	strace $0x80000046;
	[dreg:$0x1] =	wrdreg $0xFFFFFFFF  }
0xa7: {  	s28 =	simm.s32 $_size_execute0_lowered;
	s3 =	sadd.s32 s3, s5;
	[dreg:$0x0] =	wrdreg $0x0  }
0xa8: {  	s5 =	sshll.u32 s28, $0x1;
	[dreg:$0x2] =	wrdreg s3  }
0xa9: {  	[dreg:$0x3] =	wrdreg s5  }
0xaa: {  	[dreg:$0x4] =	wrdreg $0xC0  }
0xab: {  	_ =	task [dreg:s7], $0x5FFFF  }
0xac: {  	[dreg:$0x1] =	wrdreg $0xFFFFFFFF  }
0xad: {  	[dreg:$0x0] =	wrdreg $0x60  }
0xae: {  	[dreg:$0x2] =	wrdreg s2  }
0xaf: {  	[dreg:$0x3] =	wrdreg s24  }
0xb0: {  	[dreg:$0x4] =	wrdreg $0x9  }
0xb1: {  	_ =	task.clear_ibuf [dreg:s7], $0x5FFFF;
	_ =	strace $0x90000046  }
0xb2: {  	s29 =	simm.s32 $0x9;
	_ =	strace $0x80000048  }
0xb3: {  	_ =	swait.ge [sflag:s29], $0x1  }
0xb4: {  	[sflag:s29] =	ssyncadd.s32 $0xFFFFFFFF  }
0xb5: {  	_ =	strace $0x90000048  }
0xb6: {  	_ =	sfence  }
0xb7: {  	s30 =	sld [smem:$0x0];
	_ =	sdelay $0x2  }
0xb8: {  	s31 =	sshll.u32 s1, $0xD;
	s1 =	sshrl.u32 s1, $0x2  }
0xb9: {  	s3 =	sand.u32 $0x4000, s31;
	s1 =	sadd.s32 s1, s30  }
0xba: {  	s0 =	sor.u32 s3, s0;
	s1 =	sshll.u32 s1, $0x11  }
0xbb: {  	s0 =	sor.u32 s1, s0  }
0xbc: {  	s0 =	sadd.s32 $0x8F2B, s0  }
0xbd: {  	[sflag:s0] =	ssyncadd.remote.s32 $0x1  }
0xbe: {  	_ =	sfence.sel $0xFFFF  }
0xbf: {  	[dreg:$0x0] =	wrdreg $0xFFFFFFFF;
	(pc) =	sbr.abs _section_cstart, $3  }
0xc0: {  	[dreg:$0x1] =	wrdreg $0xFFFFFFFF  }
0xc1: {  	_ =	task.clear_ibuf [dreg:s7], $0x2FFFF;
	_ =	strace $0x9FFFFFFF  }
0xc2: {  	(tm) =	ssettm $0x7FFFFFFF  }
0xc3: {  	_ =	shalt  }
tec
execute0_lowered:
.L_overlay_start_1:
0x0: {  	(tag) =	ssettag $0x1  }
0x1: {  	s0 =	rddreg [dreg:$0x0]  }
0x2: {  	s1 =	rddreg [dreg:$0x1];
	s3 =	srdreg.scid;
	s2 =	simm.s32 $0x0  }
0x3: {  	s4 =	stileid.u32;
	s13 =	simm.s32 $0xD080;
	s14 =	simm.s32 $0xD880  }
0x4: {  	s15 =	simm.s32 $0xE080;
	s16 =	simm.s32 $0xE880;
	s17 =	simm.s32 $0xF080  }
0x5: {  	s18 =	simm.s32 $0xF880;
	s19 =	simm.s32 $0x10080;
	s20 =	simm.s32 $0x1  }
0x6: {  	s21 =	simm.s32 $0x14080;
	s22 =	simm.s32 $0x0;
	s3 =	sand.u32 $0x1, s3  }
0x7: {  	[smem:$0x7FF] =	sst s2;
	s4 =	sshll.u32 s4, $0x8;
	s5 =	sshll.u32 s3, $0x7  }
0x8: {  	v0 =	vlaneseq.u32;
	_ =	strace $0x80000047;
	s31 =	ssub.s32 $0x2, s3;
	s4 =	sor.u32 s5, s4  }
0x9: {  	v1 =	vand.u32 $0x7, v0;
	v63 =	vshrl.u32 v0, $0x3;
	s3 =	sadd.s32 $0x10400, s1;
	s7 =	sshrl.u32 s31, $0x1;
	s6 =	sshll.u32 s4, $0x4  }
0xa: {  	v0 =	vor.u32 $0x8, v0;
	[tilespmem:$0x1FFD0] =	vst v1;
	v1 =	vmul.u32 $0x8, v63;
	s5 =	sadd.s32 $0x10500, s1;
	s4 =	sshrl.u32 s4, $0x3;
	s8 =	sadd.s32 s6, s1  }
0xb: {  	[tilespmem:$0x1FFF0] =	vst v0;
	s9 =	ssub.s32 s31, s7;
	s4 =	sadd.s32 s0, s4;
	s6 =	sadd.s32 $0x400, s8  }
0xc: {  	vm0 =	vmmov $0xffff;
	[tilespmem:$0x1FFE0] =	vst v1;
	s7 =	sadd.s32 $0x62AC00, s8;
	s8 =	smax.u32 s9, $0x1;
	s9 =	simm.s32 $0x2  }
.LBB2_1:
0xd: {  	[tilespmem:s2], [sflag:$0x2] =	stream.linear.gather [hbm4b:s4+s2], $0x80, $0x38;
	[tilespmem:$0x18080] =	vst v63  }
0xe: {  	_ =	swait.ge [sflag:s9], $0x80  }
0xf: {  	[sflag:s9] =	ssyncset.done $0x0  }
0x10: {  	[sflag:s9] =	ssyncadd.s32 $0xFFFFFF80  }
0x11: {  	v0 =	vld [tilespmem:$0x0];
	_ =	sdelay $0x2  }
0x12: {  	v2 =	vld [tilespmem:$0x1FFD0];
	_ =	sdelay $0x1  }
0x13: {  	v3 =	vld [tilespmem:$0x1FFE0];
	v1 =	vshll.u32 v0, $0x2  }
0x14: {  	v0 =	vand.u32 $0x7, v0;
	v1 =	vand.u32 $0xFFFFFFE0, v1  }
0x15: {  	v4 =	vld [tilespmem:$0x1FFF0];
	v0 =	vor.u32 v0, v1  }
0x16: {  	v1 =	vperm.xlane v0, v2;
	_ =	sdelay $0x1  }
0x17: {  	v1 =	vadd.s32 v3, v1;
	_ =	sdelay $0x1  }
0x18: {  	v0 =	vperm.xlane v0, v4;
	_ =	sdelay $0x1  }
0x19: {  	s0 =	simm.s32 $0x80;
	v0 =	vadd.s32 v3, v0  }
0x1a: {  	[tilespmem:s0], [sflag:$0x1] =	stream.indirect_vreg.gather [hbm4b:s3+s2], $0x80, v1, vm0, $0xb8;
	[tilespmem:$0x18080] =	vst v63  }
0x1b: {  	s31 =	simm.s32 $0x880  }
0x1c: {  	[tilespmem:s31], [sflag:$0x1] =	stream.indirect_vreg.gather [hbm4b:s5+s2], $0x80, v1, vm0, $0xb8;
	[tilespmem:$0x18080] =	vst v63  }
0x1d: {  	s1 =	simm.s32 $0x1080  }
0x1e: {  	[tilespmem:s1], [sflag:$0x1] =	stream.indirect_vreg.gather [hbm4b:s3+s2], $0x80, v0, vm0, $0xb8;
	[tilespmem:$0x18080] =	vst v63  }
0x1f: {  	s10 =	simm.s32 $0x1880  }
0x20: {  	[tilespmem:s10], [sflag:$0x1] =	stream.indirect_vreg.gather [hbm4b:s5+s2], $0x80, v0, vm0, $0xb8;
	[tilespmem:$0x18080] =	vst v63  }
0x21: {  	v0 =	vld [tilespmem:$0x10];
	_ =	sdelay $0x4  }
0x22: {  	v57 =	vshll.u32 v0, $0x2  }
0x23: {  	v0 =	vand.u32 $0x7, v0;
	v1 =	vand.u32 $0xFFFFFFE0, v57  }
0x24: {  	v0 =	vor.u32 v0, v1  }
0x25: {  	v1 =	vperm.xlane v0, v2;
	_ =	sdelay $0x1  }
0x26: {  	v1 =	vadd.s32 v3, v1;
	_ =	sdelay $0x1  }
0x27: {  	v0 =	vperm.xlane v0, v4;
	_ =	sdelay $0x1  }
0x28: {  	s11 =	simm.s32 $0x2080;
	v0 =	vadd.s32 v3, v0  }
0x29: {  	[tilespmem:s11], [sflag:$0x1] =	stream.indirect_vreg.gather [hbm4b:s3+s2], $0x80, v1, vm0, $0xb8;
	[tilespmem:$0x18080] =	vst v63  }
0x2a: {  	s12 =	simm.s32 $0x2880  }
0x2b: {  	[tilespmem:s12], [sflag:$0x1] =	stream.indirect_vreg.gather [hbm4b:s5+s2], $0x80, v1, vm0, $0xb8;
	[tilespmem:$0x18080] =	vst v63  }
0x2c: {  	s23 =	simm.s32 $0x3080  }
0x2d: {  	[tilespmem:s23], [sflag:$0x1] =	stream.indirect_vreg.gather [hbm4b:s3+s2], $0x80, v0, vm0, $0xb8;
	[tilespmem:$0x18080] =	vst v63  }
0x2e: {  	s24 =	simm.s32 $0x3880  }
0x2f: {  	[tilespmem:s24], [sflag:$0x1] =	stream.indirect_vreg.gather [hbm4b:s5+s2], $0x80, v0, vm0, $0xb8;
	[tilespmem:$0x18080] =	vst v63  }
0x30: {  	v0 =	vld [tilespmem:$0x20];
	_ =	sdelay $0x4  }
0x31: {  	v58 =	vshll.u32 v0, $0x2  }
0x32: {  	v0 =	vand.u32 $0x7, v0;
	v1 =	vand.u32 $0xFFFFFFE0, v58  }
0x33: {  	v0 =	vor.u32 v0, v1  }
0x34: {  	v1 =	vperm.xlane v0, v2;
	_ =	sdelay $0x1  }
0x35: {  	v1 =	vadd.s32 v3, v1;
	_ =	sdelay $0x1  }
0x36: {  	v0 =	vperm.xlane v0, v4;
	_ =	sdelay $0x1  }
0x37: {  	s25 =	simm.s32 $0x4080;
	v0 =	vadd.s32 v3, v0  }
0x38: {  	[tilespmem:s25], [sflag:$0x1] =	stream.indirect_vreg.gather [hbm4b:s3+s2], $0x80, v1, vm0, $0xb8;
	[tilespmem:$0x18080] =	vst v63  }
0x39: {  	s26 =	simm.s32 $0x4880  }
0x3a: {  	[tilespmem:s26], [sflag:$0x1] =	stream.indirect_vreg.gather [hbm4b:s5+s2], $0x80, v1, vm0, $0xb8;
	[tilespmem:$0x18080] =	vst v63  }
0x3b: {  	s28 =	simm.s32 $0x5080  }
0x3c: {  	[tilespmem:s28], [sflag:$0x1] =	stream.indirect_vreg.gather [hbm4b:s3+s2], $0x80, v0, vm0, $0xb8;
	[tilespmem:$0x18080] =	vst v63  }
0x3d: {  	s29 =	simm.s32 $0x5880  }
0x3e: {  	[tilespmem:s29], [sflag:$0x1] =	stream.indirect_vreg.gather [hbm4b:s5+s2], $0x80, v0, vm0, $0xb8;
	[tilespmem:$0x18080] =	vst v63  }
0x3f: {  	v0 =	vld [tilespmem:$0x30];
	_ =	sdelay $0x4  }
0x40: {  	v59 =	vshll.u32 v0, $0x2  }
0x41: {  	v0 =	vand.u32 $0x7, v0;
	v1 =	vand.u32 $0xFFFFFFE0, v59  }
0x42: {  	v0 =	vor.u32 v0, v1  }
0x43: {  	v1 =	vperm.xlane v0, v2;
	_ =	sdelay $0x1  }
0x44: {  	v1 =	vadd.s32 v3, v1;
	_ =	sdelay $0x1  }
0x45: {  	v0 =	vperm.xlane v0, v4;
	_ =	sdelay $0x1  }
0x46: {  	s30 =	simm.s32 $0x6080;
	v0 =	vadd.s32 v3, v0  }
0x47: {  	[tilespmem:s30], [sflag:$0x1] =	stream.indirect_vreg.gather [hbm4b:s3+s2], $0x80, v1, vm0, $0xb8;
	[tilespmem:$0x18080] =	vst v63  }
0x48: {  	s31 =	simm.s32 $0x6880  }
0x49: {  	[tilespmem:s31], [sflag:$0x1] =	stream.indirect_vreg.gather [hbm4b:s5+s2], $0x80, v1, vm0, $0xb8;
	[tilespmem:$0x18080] =	vst v63  }
0x4a: {  	s1 =	simm.s32 $0x7080  }
0x4b: {  	[tilespmem:s1], [sflag:$0x1] =	stream.indirect_vreg.gather [hbm4b:s3+s2], $0x80, v0, vm0, $0xb8;
	[tilespmem:$0x18080] =	vst v63  }
0x4c: {  	s10 =	simm.s32 $0x7880  }
0x4d: {  	[tilespmem:s10], [sflag:$0x1] =	stream.indirect_vreg.gather [hbm4b:s5+s2], $0x80, v0, vm0, $0xb8;
	[tilespmem:$0x18080] =	vst v63  }
0x4e: {  	v0 =	vld [tilespmem:$0x40];
	_ =	sdelay $0x4  }
0x4f: {  	v60 =	vshll.u32 v0, $0x2  }
0x50: {  	v0 =	vand.u32 $0x7, v0;
	v1 =	vand.u32 $0xFFFFFFE0, v60  }
0x51: {  	v0 =	vor.u32 v0, v1  }
0x52: {  	v1 =	vperm.xlane v0, v2;
	_ =	sdelay $0x1  }
0x53: {  	v1 =	vadd.s32 v3, v1;
	_ =	sdelay $0x1  }
0x54: {  	v0 =	vperm.xlane v0, v4;
	_ =	sdelay $0x1  }
0x55: {  	s11 =	simm.s32 $0x8080;
	v0 =	vadd.s32 v3, v0  }
0x56: {  	[tilespmem:s11], [sflag:$0x1] =	stream.indirect_vreg.gather [hbm4b:s3+s2], $0x80, v1, vm0, $0xb8;
	[tilespmem:$0x18080] =	vst v63  }
0x57: {  	s12 =	simm.s32 $0x8880  }
0x58: {  	[tilespmem:s12], [sflag:$0x1] =	stream.indirect_vreg.gather [hbm4b:s5+s2], $0x80, v1, vm0, $0xb8;
	[tilespmem:$0x18080] =	vst v63  }
0x59: {  	s23 =	simm.s32 $0x9080  }
0x5a: {  	[tilespmem:s23], [sflag:$0x1] =	stream.indirect_vreg.gather [hbm4b:s3+s2], $0x80, v0, vm0, $0xb8;
	[tilespmem:$0x18080] =	vst v63  }
0x5b: {  	s24 =	simm.s32 $0x9880  }
0x5c: {  	[tilespmem:s24], [sflag:$0x1] =	stream.indirect_vreg.gather [hbm4b:s5+s2], $0x80, v0, vm0, $0xb8;
	[tilespmem:$0x18080] =	vst v63  }
0x5d: {  	v0 =	vld [tilespmem:$0x50];
	_ =	sdelay $0x4  }
0x5e: {  	v61 =	vshll.u32 v0, $0x2  }
0x5f: {  	v0 =	vand.u32 $0x7, v0;
	v1 =	vand.u32 $0xFFFFFFE0, v61  }
0x60: {  	v0 =	vor.u32 v0, v1  }
0x61: {  	v1 =	vperm.xlane v0, v2;
	_ =	sdelay $0x1  }
0x62: {  	v1 =	vadd.s32 v3, v1;
	_ =	sdelay $0x1  }
0x63: {  	v0 =	vperm.xlane v0, v4;
	_ =	sdelay $0x1  }
0x64: {  	s25 =	simm.s32 $0xA080;
	v0 =	vadd.s32 v3, v0  }
0x65: {  	[tilespmem:s25], [sflag:$0x1] =	stream.indirect_vreg.gather [hbm4b:s3+s2], $0x80, v1, vm0, $0xb8;
	[tilespmem:$0x18080] =	vst v63  }
0x66: {  	s26 =	simm.s32 $0xA880  }
0x67: {  	[tilespmem:s26], [sflag:$0x1] =	stream.indirect_vreg.gather [hbm4b:s5+s2], $0x80, v1, vm0, $0xb8;
	[tilespmem:$0x18080] =	vst v63  }
0x68: {  	s28 =	simm.s32 $0xB080  }
0x69: {  	[tilespmem:s28], [sflag:$0x1] =	stream.indirect_vreg.gather [hbm4b:s3+s2], $0x80, v0, vm0, $0xb8;
	[tilespmem:$0x18080] =	vst v63  }
0x6a: {  	s29 =	simm.s32 $0xB880  }
0x6b: {  	[tilespmem:s29], [sflag:$0x1] =	stream.indirect_vreg.gather [hbm4b:s5+s2], $0x80, v0, vm0, $0xb8;
	[tilespmem:$0x18080] =	vst v63  }
0x6c: {  	v0 =	vld [tilespmem:$0x60];
	_ =	sdelay $0x4  }
0x6d: {  	v62 =	vshll.u32 v0, $0x2  }
0x6e: {  	v0 =	vand.u32 $0x7, v0;
	v1 =	vand.u32 $0xFFFFFFE0, v62  }
0x6f: {  	v0 =	vor.u32 v0, v1  }
0x70: {  	v1 =	vperm.xlane v0, v2;
	_ =	sdelay $0x1  }
0x71: {  	v1 =	vadd.s32 v3, v1;
	_ =	sdelay $0x1  }
0x72: {  	v0 =	vperm.xlane v0, v4;
	_ =	sdelay $0x1  }
0x73: {  	s30 =	simm.s32 $0xC080;
	v0 =	vadd.s32 v3, v0  }
0x74: {  	[tilespmem:s30], [sflag:$0x1] =	stream.indirect_vreg.gather [hbm4b:s3+s2], $0x80, v1, vm0, $0xb8;
	[tilespmem:$0x18080] =	vst v63  }
0x75: {  	s31 =	simm.s32 $0xC880  }
0x76: {  	[tilespmem:s31], [sflag:$0x1] =	stream.indirect_vreg.gather [hbm4b:s5+s2], $0x80, v1, vm0, $0xb8;
	[tilespmem:$0x18080] =	vst v63  }
0x77: {  	_ = 	snop  }
0x78: {  	[tilespmem:s13], [sflag:$0x1] =	stream.indirect_vreg.gather [hbm4b:s3+s2], $0x80, v0, vm0, $0xb8;
	[tilespmem:$0x18080] =	vst v63  }
0x79: {  	_ = 	snop  }
0x7a: {  	[tilespmem:s14], [sflag:$0x1] =	stream.indirect_vreg.gather [hbm4b:s5+s2], $0x80, v0, vm0, $0xb8;
	[tilespmem:$0x18080] =	vst v63  }
0x7b: {  	v0 =	vld [tilespmem:$0x70];
	_ =	sdelay $0x4  }
0x7c: {  	v63 =	vshll.u32 v0, $0x2  }
0x7d: {  	v0 =	vand.u32 $0x7, v0;
	v1 =	vand.u32 $0xFFFFFFE0, v63  }
0x7e: {  	v0 =	vor.u32 v0, v1  }
0x7f: {  	v1 =	vperm.xlane v0, v2;
	_ =	sdelay $0x1  }
0x80: {  	v1 =	vadd.s32 v3, v1;
	_ =	sdelay $0x1  }
0x81: {  	v0 =	vperm.xlane v0, v4;
	_ =	sdelay $0x1  }
0x82: {  	v0 =	vadd.s32 v3, v0  }
0x83: {  	[tilespmem:s15], [sflag:$0x1] =	stream.indirect_vreg.gather [hbm4b:s3+s2], $0x80, v1, vm0, $0xb8;
	[tilespmem:$0x18080] =	vst v63  }
0x84: {  	_ = 	snop  }
0x85: {  	[tilespmem:s16], [sflag:$0x1] =	stream.indirect_vreg.gather [hbm4b:s5+s2], $0x80, v1, vm0, $0xb8;
	[tilespmem:$0x18080] =	vst v63  }
0x86: {  	_ = 	snop  }
0x87: {  	[tilespmem:s17], [sflag:$0x1] =	stream.indirect_vreg.gather [hbm4b:s3+s2], $0x80, v0, vm0, $0xb8;
	[tilespmem:$0x18080] =	vst v63  }
0x88: {  	_ = 	snop  }
0x89: {  	[tilespmem:s18], [sflag:$0x1] =	stream.indirect_vreg.gather [hbm4b:s5+s2], $0x80, v0, vm0, $0xb8;
	[tilespmem:$0x18080] =	vst v63  }
0x8a: {  	_ = 	snop  }
0x8b: {  	[tilespmem:s19], [sflag:$0x2] =	stream.linear.gather [hbm4b:s6+s2], $0x4000, $0x38;
	[tilespmem:$0x18080] =	vst v63  }
0x8c: {  	_ =	swait.ge [sflag:s9], $0x4000  }
0x8d: {  	[sflag:s9] =	ssyncset.done $0x0  }
0x8e: {  	[sflag:s9] =	ssyncadd.s32 $0xFFFFC000  }
0x8f: {  	_ =	swait.ge [sflag:s20], $0x10000  }
0x90: {  	[sflag:s20] =	ssyncset.done $0x0  }
0x91: {  	s23 =	simm.s32 $0x0;
	[sflag:s20] =	ssyncadd.s32 $0xFFFF0000  }
.LBB2_2:
0x92: {  	s24 =	sshll.u32 s23, $0x7  }
0x93: {  	v0 =	vld [tilespmem:s24+$0x10080]  }
0x94: {  	v1 =	vld [tilespmem:s24+$0x10090]  }
0x95: {  	v2 =	vld [tilespmem:s24+$0x100A0]  }
0x96: {  	v4 =	vld [tilespmem:s24+$0x100B0]  }
0x97: {  	s0 =	sshll.u32 s23, $0x9;
	v40 =	vld [tilespmem:s24+$0x10100]  }
0x98: {  	s25 =	sand.u32 $0x3FFFFE00, s0;
	v39 =	vld [tilespmem:s24+$0x10110]  }
0x99: {  	v60 =	vld [tilespmem:s25+$0x80]  }
0x9a: {  	v59 =	vld [tilespmem:s25+$0x90]  }
0x9b: {  	v31 =	vld [tilespmem:s25+$0xA0]  }
0x9c: {  	v24 =	vld [tilespmem:s25+$0xB0]  }
0x9d: {  	v63 =	vld [tilespmem:s25+$0xC0]  }
0x9e: {  	v62 =	vld [tilespmem:s25+$0xD0]  }
0x9f: {  	v37 =	vld [tilespmem:s25+$0xE0]  }
0xa0: {  	v22 =	vld [tilespmem:s25+$0xF0]  }
0xa1: {  	v61 =	vld [tilespmem:s25+$0x480]  }
0xa2: {  	v57 =	vld [tilespmem:s25+$0x490]  }
0xa3: {  	v30 =	vld [tilespmem:s25+$0x4A0]  }
0xa4: {  	v17 =	vld [tilespmem:s25+$0x4B0]  }
0xa5: {  	v58 =	vld [tilespmem:s25+$0x4C0]  }
0xa6: {  	v54 =	vld [tilespmem:s25+$0x4D0]  }
0xa7: {  	v34 =	vld [tilespmem:s25+$0x4E0]  }
0xa8: {  	v18 =	vld [tilespmem:s25+$0x4F0]  }
0xa9: {  	v53 =	vld [tilespmem:s25+$0x880];
	v5 =	vmul.f32 v60, v0;
	v7 =	vmul.f32 v59, v1  }
0xaa: {  	v51 =	vld [tilespmem:s25+$0x890];
	v8 =	vmul.f32 v63, v0;
	v9 =	vmul.f32 v62, v1  }
0xab: {  	v38 =	vld [tilespmem:s25+$0x8A0];
	v10 =	vmul.f32 v31, v2;
	v12 =	vmul.f32 v24, v4  }
0xac: {  	v3 =	vld [tilespmem:s25+$0x8B0];
	v45 =	vmul.f32 v37, v2;
	v11 =	vmul.f32 v61, v0  }
0xad: {  	v49 =	vld [tilespmem:s25+$0x8C0];
	v13 =	vmul.f32 v57, v1;
	v46 =	vmul.f32 v58, v0  }
0xae: {  	v48 =	vld [tilespmem:s25+$0x8D0];
	v14 =	vmul.f32 v54, v1;
	v15 =	vmul.f32 v22, v4  }
0xaf: {  	v52 =	vld [tilespmem:s25+$0xC80];
	v16 =	vmul.f32 v30, v2;
	v20 =	vmul.f32 v34, v2  }
0xb0: {  	v55 =	vld [tilespmem:s25+$0xCC0];
	v23 =	vmul.f32 v17, v4;
	v25 =	vmul.f32 v18, v4  }
0xb1: {  	v47 =	vld [tilespmem:s25+$0xCA0];
	v27 =	vmul.f32 v53, v0;
	v29 =	vmul.f32 v51, v1  }
0xb2: {  	v6 =	vld [tilespmem:s25+$0x8E0];
	v19 =	vmul.f32 v38, v2;
	v32 =	vmul.f32 v49, v0;
	v7 =	vadd.f32 v7, v5  }
0xb3: {  	v50 =	vld [tilespmem:s25+$0xC90];
	v33 =	vmul.f32 v3, v4;
	v8 =	vadd.f32 v9, v8;
	v13 =	vadd.f32 v13, v11  }
0xb4: {  	v56 =	vld [tilespmem:s25+$0xCD0];
	v35 =	vmul.f32 v52, v0;
	v9 =	vadd.f32 v14, v46;
	v7 =	vadd.f32 v10, v7  }
0xb5: {  	v26 =	vld [tilespmem:s25+$0x8F0];
	v41 =	vmul.f32 v55, v0;
	v8 =	vadd.f32 v45, v8;
	v21 =	vadd.f32 v16, v13  }
0xb6: {  	v28 =	vld [tilespmem:s25+$0xCE0];
	v44 =	vmul.f32 v47, v2;
	v9 =	vadd.f32 v20, v9;
	v16 =	vadd.f32 v29, v27  }
0xb7: {  	[tilespmem:$0x1F900] =	vst v18;
	v11 =	vld [tilespmem:s25+$0xCB0];
	v20 =	vmul.f32 v48, v1;
	v7 =	vadd.f32 v12, v7;
	v8 =	vadd.f32 v15, v8  }
0xb8: {  	[tilespmem:$0x1F910] =	vst v3;
	v14 =	vld [tilespmem:s25+$0xCF0];
	v15 =	vadd.f32 v23, v21;
	v9 =	vadd.f32 v25, v9;
	v23 =	vmul.f32 v50, v1  }
0xb9: {  	v36 =	vld [tilespmem:s25+$0x100];
	[tilespmem:$0x1F940] =	vst v47;
	v21 =	vmul.f32 v6, v2;
	v12 =	vadd.f32 v20, v32;
	v25 =	vmul.f32 v56, v1  }
0xba: {  	v3 =	vld [tilespmem:s25+$0x120];
	v45 =	vmul.f32 v26, v4;
	v16 =	vadd.f32 v19, v16;
	(xrf2) =	vadd.scan.msk.f32 $0xffff, v7;
	v43 =	vadd.f32 v23, v35  }
0xbb: {  	v0 =	vld [tilespmem:s25+$0x130];
	v2 =	vmul.f32 v28, v2;
	v42 =	vadd.f32 v21, v12;
	v46 =	vadd.f32 v25, v41;
	(xrf2) =	vadd.scan.msk.f32 $0xffff, v8  }
0xbc: {  	v18 =	vld [tilespmem:s25+$0x560];
	v47 =	vadd.f32 v33, v16;
	v23 =	vmul.f32 v11, v4;
	(xrf2) =	vadd.scan.msk.f32 $0xffff, v15;
	v12 =	vadd.f32 v44, v43  }
0xbd: {  	v5 =	vld [tilespmem:s24+$0x10120];
	v4 =	vmul.f32 v14, v4;
	v8 =	vadd.f32 v45, v42;
	v2 =	vadd.f32 v2, v46;
	(xrf2) =	vadd.scan.msk.f32 $0xffff, v9  }
0xbe: {  	v19 =	vld [tilespmem:s25+$0x110];
	(xrf2) =	vadd.scan.msk.f32 $0xffff, v47;
	v25 =	vadd.f32 v23, v12  }
0xbf: {  	v1 =	vld [tilespmem:s25+$0x170];
	v2 =	vadd.f32 v4, v2;
	(xrf2) =	vadd.scan.msk.f32 $0xffff, v8  }
0xc0: {  	v20 =	vld [tilespmem:s25+$0x920];
	(xrf2) =	vadd.scan.msk.f32 $0xffff, v25  }
0xc1: {  	v7 =	vld [tilespmem:s24+$0x10130];
	(xrf2) =	vadd.scan.msk.f32 $0xffff, v2  }
0xc2: {  	v21 =	vld [tilespmem:s25+$0x960]  }
0xc3: {  	v44 =	vld [tilespmem:s25+$0x140]  }
0xc4: {  	[tilespmem:$0x1F930] =	vst v26;
	v15 =	vld [tilespmem:s25+$0x160];
	v26, _, _ =	vpop (xrf2)  }
0xc5: {  	v42 =	vld [tilespmem:s25+$0x500];
	(v2sf) =	vpush v26, $0xF;
	v27, _, _ =	vpop (xrf2)  }
0xc6: {  	[tilespmem:$0x1F960] =	vst v28;
	v43 =	vld [tilespmem:s25+$0x540];
	(v2sf) =	vpush v27, $0xF;
	v28, _, _ =	vpop (xrf2)  }
0xc7: {  	v45 =	vld [tilespmem:s25+$0x900];
	(v2sf) =	vpush v28, $0xF;
	v29, _, _ =	vpop (xrf2)  }
0xc8: {  	v46 =	vld [tilespmem:s25+$0x940];
	(v2sf) =	vpush v29, $0xF;
	v32, _, _ =	vpop (xrf2)  }
0xc9: {  	v25 =	vld [tilespmem:s25+$0x150];
	(v2sf) =	vpush v32, $0xF;
	v33, _, _ =	vpop (xrf2)  }
0xca: {  	v23 =	vld [tilespmem:s25+$0x510];
	(v2sf) =	vpush v33, $0xF;
	v9, _, _ =	vpop (xrf2)  }
0xcb: {  	[tilespmem:$0x1F920] =	vst v6;
	v41 =	vmul.f32 v36, v40;
	v6 =	vmul.f32 v19, v39;
	v26 =	vld [tilespmem:s25+$0x550];
	(v2sf) =	vpush v9, $0xF;
	v35, _, _ =	vpop (xrf2)  }
0xcc: {  	v12 =	vld [tilespmem:s25+$0x520];
	(v2sf) =	vpush v35, $0xF  }
0xcd: {  	[tilespmem:$0x1F950] =	vst v11;
	v10 =	vmul.f32 v3, v5;
	v4 =	vld [tilespmem:s25+$0x570];
	v16 =	vadd.f32 v6, v41;
	v11 =	vmul.f32 v15, v5  }
0xce: {  	v2 =	vld [tilespmem:s25+$0x530];
	v29 =	vmul.f32 v44, v40;
	v32 =	vmul.f32 v25, v39  }
0xcf: {  	v41 =	vadd.f32 v10, v16;
	v47 =	vmul.f32 v42, v40;
	v27 =	vld [tilespmem:s25+$0x910];
	v33 =	vmul.f32 v0, v7  }
0xd0: {  	[tilespmem:$0x1F980] =	vst v0;
	v16 =	vld [tilespmem:s25+$0x970];
	v0 =	vmul.f32 v23, v39;
	v13 =	vmul.f32 v26, v39;
	v29 =	vadd.f32 v32, v29  }
0xd1: {  	v28 =	vld [tilespmem:s25+$0x950];
	v32 =	vmul.f32 v43, v40;
	v35 =	vmul.f32 v1, v7;
	v8 =	vadd.f32 v33, v41  }
0xd2: {  	[tilespmem:$0x1F970] =	vst v3;
	v0 =	vadd.f32 v0, v47;
	v47 =	vld [tilespmem:s25+$0xD00];
	v41 =	vmul.f32 v12, v5;
	v29 =	vadd.f32 v11, v29  }
0xd3: {  	v3 =	vmul.f32 v18, v5;
	[tilespmem:$0x1F990] =	vst v1;
	v1 =	vadd.f32 v13, v32;
	v32 =	vld [tilespmem:s25+$0xD10];
	v11 =	vmul.f32 v2, v7  }
0xd4: {  	v13 =	vmul.f32 v27, v39;
	v6 =	vadd.f32 v41, v0;
	v41 =	vld [tilespmem:s25+$0xD40];
	v10 =	vadd.f32 v35, v29;
	s26 =	spop (v2sf)  }
0xd5: {  	[tilespmem:$0x1F9B0] =	vst v4;
	v35 =	vmul.f32 v4, v7;
	v4 =	vadd.f32 v3, v1;
	v29 =	vld [tilespmem:s25+$0xD50];
	v3 =	vmul.f32 v45, v40;
	s28 =	spop (v2sf)  }
0xd6: {  	v9 =	vld [tilespmem:s25+$0x930];
	v1 =	vmul.f32 v46, v40;
	v33 =	vadd.f32 v11, v6;
	v6 =	vmul.f32 v28, v39;
	s29 =	spop (v2sf);
	s11 =	smax.f32 s26, s28  }
0xd7: {  	[tilespmem:$0x1F9A0] =	vst v2;
	v11 =	vld [tilespmem:s25+$0xD20];
	v2 =	vadd.f32 v13, v3;
	v3 =	vmul.f32 v20, v5;
	s30 =	spop (v2sf);
	s0 =	smax.f32 s11, s29  }
0xd8: {  	v35 =	vadd.f32 v35, v4;
	v13 =	vld [tilespmem:s25+$0xD60];
	v4 =	vadd.f32 v6, v1;
	v1 =	vmul.f32 v21, v5;
	s11 =	spop (v2sf);
	s0 =	smax.f32 s0, s30  }
0xd9: {  	v6 =	vmul.f32 v47, v40;
	v2 =	vadd.f32 v3, v2;
	v3 =	vmul.f32 v41, v40;
	v40 =	vld [tilespmem:s25+$0xD30];
	s10 =	spop (v2sf);
	s1 =	smax.f32 s0, s11  }
0xda: {  	(xrf2) =	vadd.scan.msk.f32 $0xffff, v8;
	v0 =	vmul.f32 v32, v39;
	v1 =	vadd.f32 v1, v4;
	v4 =	vmul.f32 v29, v39;
	v39 =	vld [tilespmem:s25+$0xD70];
	s0 =	spop (v2sf);
	s31 =	smax.f32 s1, s10  }
0xdb: {  	[tilespmem:$0x1F9C0] =	vst v9;
	v8 =	vmul.f32 v9, v7;
	s12 =	spop (v2sf);
	s31 =	smax.f32 s31, s0  }
0xdc: {  	(xrf2) =	vadd.scan.msk.f32 $0xffff, v10;
	v0 =	vadd.f32 v0, v6;
	v6 =	vmul.f32 v16, v7;
	v9 =	vmul.f32 v11, v5;
	s31 =	smax.f32 s31, s12  }
0xdd: {  	(xrf2) =	vadd.scan.msk.f32 $0xffff, v33;
	v2 =	vadd.f32 v8, v2;
	v3 =	vadd.f32 v4, v3;
	v10 =	vmul.f32 v13, v5;
	s26 =	ssub.f32 s26, s31  }
0xde: {  	(xrf2) =	vadd.scan.msk.f32 $0xffff, v35;
	v0 =	vadd.f32 v9, v0;
	v35 =	vmul.f32 v40, v7;
	s28 =	ssub.f32 s28, s31  }
0xdf: {  	v1 =	vadd.f32 v6, v1;
	(xrf2) =	vadd.scan.msk.f32 $0xffff, v2;
	v2 =	vadd.f32 v10, v3;
	v9 =	vmul.f32 v39, v7;
	s29 =	ssub.f32 s29, s31  }
0xe0: {  	v0 =	vadd.f32 v35, v0;
	v33 =	vmov s26;
	v10 =	vmov s28  }
0xe1: {  	s30 =	ssub.f32 s30, s31;
	v35 =	vmov s29;
	v3 =	vadd.f32 $0.0e+00, v33;
	v33 =	vadd.f32 $0.0e+00, v10  }
0xe2: {  	v2 =	vadd.f32 v9, v2;
	v9 =	vadd.f32 $0.0e+00, v35  }
0xe3: {  	(xrf2) =	vadd.scan.msk.f32 $0xffff, v1;
	v3 =	vmul.f32 $1.442695020e+00, v3;
	v8 =	vmul.f32 $1.442695020e+00, v33;
	v33 =	vmov s30  }
0xe4: {  	(xrf2) =	vadd.scan.msk.f32 $0xffff, v0;
	s11 =	ssub.f32 s11, s31;
	v35, _, _ =	vpop (xrf2);
	v7 =	vadd.f32 $0.0e+00, v33  }
0xe5: {  	(xrf2) =	vadd.scan.msk.f32 $0xffff, v2;
	v1 =	vmul.f32 $1.442695020e+00, v9;
	(v2sf) =	vpush v35, $0xF;
	v10 =	vbroadcast v3, $0x0  }
0xe6: {  	v35 =	vmov s11;
	v0 =	vbroadcast v8, $0x0;
	v33 =	vmul.f32 $1.442695020e+00, v7  }
0xe7: {  	s10 =	ssub.f32 s10, s31;
	v9 =	vbroadcast v1, $0x0;
	v7 =	vadd.f32 $0.0e+00, v35;
	(erf) = vpow2.f32 v10;
	v8, _, _ =	vpop (xrf2)  }
0xe8: {  	s0 =	ssub.f32 s0, s31;
	(erf) = vpow2.f32 v0;
	(v2sf) =	vpush v8, $0xF;
	v1 =	vbroadcast v33, $0x0  }
0xe9: {  	v0 =	vmul.f32 $1.442695020e+00, v7;
	v10, _, _ =	vpop (xrf2);
	(erf) = vpow2.f32 v9;
	v9 =	vmov s10  }
0xea: {  	(v2sf) =	vpush v10, $0xF;
	v2 =	vadd.f32 $0.0e+00, v9;
	v10 =	vmov s0  }
0xeb: {  	s1 =	ssub.f32 s12, s31;
	v6, _, _ =	vpop (xrf2);
	(erf) = vpow2.f32 v1;
	v35 =	vadd.f32 $0.0e+00, v10  }
0xec: {  	v0 =	vbroadcast v0, $0x0;
	(v2sf) =	vpush v6, $0xF;
	v8, _, _ =	vpop (xrf2);
	v2 =	vmul.f32 $1.442695020e+00, v2  }
0xed: {  	(v2sf) =	vpush v8, $0xF;
	v33, _, _ =	vpop (xrf2);
	v8 =	vmov s1;
	v1 =	vmul.f32 $1.442695020e+00, v35  }
0xee: {  	(v2sf) =	vpush v33, $0xF;
	v9, _, _ =	vpop (xrf2);
	v3 =	vadd.f32 $0.0e+00, v8;
	v33 =	vbroadcast v2, $0x0  }
0xef: {  	(erf) = vpow2.f32 v0;
	(v2sf) =	vpush v9, $0xF;
	v10, _, _ =	vpop (xrf2);
	v1 =	vbroadcast v1, $0x0  }
0xf0: {  	(v2sf) =	vpush v10, $0xF;
	v35 =	vmul.f32 $1.442695020e+00, v3;
	(erf) = vpow2.f32 v33  }
0xf1: {  	v0 =	vpop (erf);
	(erf) = vpow2.f32 v1  }
0xf2: {  	v1 =	vbroadcast v35, $0x0;
	v2 =	vpop (erf);
	v60 =	vmul.f32 v0, v60  }
0xf3: {  	v33 =	vmul.f32 v0, v59;
	v63 =	vmul.f32 v2, v63  }
0xf4: {  	v35 =	vmul.f32 v2, v62;
	v7 =	vpop (erf);
	(erf) = vpow2.f32 v1  }
0xf5: {  	v59 =	vadd.f32 v2, v0;
	v61 =	vmul.f32 v7, v61;
	v30 =	vmul.f32 v7, v30  }
0xf6: {  	v8 =	vpop (erf);
	v60 =	vadd.f32 v63, v60;
	v62 =	vadd.f32 v35, v33;
	v33 =	vmul.f32 v7, v57  }
0xf7: {  	v63 =	vadd.f32 v59, v7;
	v35 =	vmul.f32 v8, v58;
	v57 =	vmul.f32 v8, v54  }
0xf8: {  	s1 =	spop (v2sf);
	v34 =	vmul.f32 v8, v34;
	v7 =	vmul.f32 v7, v17;
	v9 =	vpop (erf);
	v1 =	vadd.f32 v60, v61  }
0xf9: {  	v4 =	vadd.f32 v62, v33;
	v5 =	vadd.f32 v63, v8;
	v58 =	vmul.f32 v9, v53;
	s10 =	spop (v2sf)  }
0xfa: {  	v59 =	vmul.f32 v9, v51;
	v51 =	vmul.f32 v2, v37;
	v1 =	vadd.f32 v1, v35;
	s31 =	smax.f32 s1, s10;
	s12 =	spop (v2sf)  }
0xfb: {  	v54 =	vmul.f32 v9, v38;
	v2 =	vmul.f32 v2, v22;
	v38 =	vld [tilespmem:$0x1F900];
	v5 =	vadd.f32 v5, v9;
	v33 =	vpop (erf);
	s26 =	spop (v2sf);
	s11 =	smax.f32 s31, s12  }
0xfc: {  	v4 =	vadd.f32 v4, v57;
	v1 =	vadd.f32 v1, v58;
	v60 =	vmul.f32 v33, v49;
	v6 =	vpop (erf);
	s28 =	spop (v2sf);
	s11 =	smax.f32 s11, s26  }
0xfd: {  	v5 =	vadd.f32 v5, v33;
	v61 =	vmul.f32 v33, v48;
	v62 =	vmul.f32 v6, v52;
	s29 =	spop (v2sf);
	s11 =	smax.f32 s11, s28  }
0xfe: {  	v4 =	vadd.f32 v4, v59;
	v63 =	vmul.f32 v6, v50;
	v50 =	vmul.f32 v0, v31;
	s30 =	spop (v2sf);
	s11 =	smax.f32 s11, s29  }
0xff: {  	v0 =	vmul.f32 v0, v24;
	v1 =	vadd.f32 v1, v60;
	v5 =	vadd.f32 v5, v6;
	s31 =	spop (v2sf);
	s11 =	smax.f32 s11, s30  }
0x100: {  	v8 =	vmul.f32 v8, v38;
	v48 =	vpop (erf);
	v4 =	vadd.f32 v4, v61;
	v3 =	vadd.f32 v51, v50;
	s11 =	smax.f32 s11, s31  }
0x101: {  	v10 =	vmul.f32 v48, v55;
	v0 =	vadd.f32 v2, v0;
	v5 =	vadd.f32 v5, v48;
	s0 =	ssub.f32 s1, s11  }
0x102: {  	v49 =	vmul.f32 v48, v56;
	v4 =	vadd.f32 v4, v63;
	v3 =	vadd.f32 v3, v30;
	s1 =	ssub.f32 s10, s11  }
0x103: {  	v14 =	vmul.f32 v48, v14;
	v1 =	vadd.f32 v1, v62;
	v0 =	vadd.f32 v0, v7;
	s12 =	ssub.f32 s12, s11  }
0x104: {  	(erf) = vrcp.f32 v5;
	v4 =	vadd.f32 v4, v49;
	s10 =	ssub.f32 s28, s11;
	v3 =	vadd.f32 v3, v34  }
0x105: {  	s28 =	ssub.f32 s31, s11;
	v52 =	vmov s0;
	v53 =	vmov s1;
	v55 =	vmov s12  }
0x106: {  	v63 =	vmov s10;
	v5 =	vadd.f32 $0.0e+00, v52;
	v31 =	vadd.f32 $0.0e+00, v53  }
0x107: {  	s1 =	ssub.f32 s26, s11;
	v49 =	vmov s28;
	v57 =	vadd.f32 $0.0e+00, v55;
	v22 =	vadd.f32 $0.0e+00, v63  }
0x108: {  	v51 =	vadd.f32 $0.0e+00, v49;
	v3 =	vadd.f32 v3, v54;
	v5 =	vmul.f32 $1.442695020e+00, v5  }
0x109: {  	s26 =	ssub.f32 s30, s11;
	v60 =	vmov s1;
	v56 =	vmul.f32 $1.442695020e+00, v31;
	v59 =	vmul.f32 $1.442695020e+00, v57  }
0x10a: {  	v52 =	vld [tilespmem:$0x1F910];
	v61 =	vadd.f32 $0.0e+00, v60;
	v31 =	vmul.f32 $1.442695020e+00, v22;
	v53 =	vmul.f32 $1.442695020e+00, v51  }
0x10b: {  	v54 =	vld [tilespmem:$0x1F920];
	v34 =	vmov s26;
	v5 =	vbroadcast v5, $0x0;
	v58 =	vbroadcast v56, $0x0  }
0x10c: {  	v63 =	vld [tilespmem:$0x1F960];
	v7 =	vadd.f32 $0.0e+00, v34;
	v62 =	vbroadcast v59, $0x0;
	v2 =	vmul.f32 $1.442695020e+00, v61  }
0x10d: {  	v1 =	vadd.f32 v1, v10;
	s12 =	ssub.f32 s29, s11;
	v55 =	vld [tilespmem:$0x1F930];
	v37 =	vbroadcast v31, $0x0;
	(erf) = vpow2.f32 v5  }
0x10e: {  	v0 =	vadd.f32 v0, v8;
	v50 =	vmul.f32 $1.442695020e+00, v7;
	(erf) = vpow2.f32 v58  }
0x10f: {  	v10 =	vmov s12;
	v56 =	vbroadcast v53, $0x0;
	v8 =	vmul.f32 v9, v52  }
0x110: {  	v30 =	vadd.f32 $0.0e+00, v10;
	v7 =	vmul.f32 v33, v54;
	v58 =	vld [tilespmem:$0x1F940];
	(erf) = vpow2.f32 v62  }
0x111: {  	v59 =	vld [tilespmem:$0x1F950];
	v10 =	vmul.f32 v48, v63;
	v2 =	vbroadcast v2, $0x0  }
0x112: {  	v5 =	vmul.f32 $1.442695020e+00, v30;
	v31 =	vpop (erf);
	v0 =	vadd.f32 v0, v8;
	v8 =	vmul.f32 v33, v55  }
0x113: {  	v35 =	vmul.f32 v31, v4;
	(erf) = vpow2.f32 v2  }
0x114: {  	v17 =	vld [tilespmem:s24+$0x10180];
	v5 =	vbroadcast v5, $0x0;
	v2 =	vbroadcast v50, $0x0  }
0x115: {  	v24 =	vld [tilespmem:s24+$0x101A0];
	v3 =	vadd.f32 v3, v7;
	(erf) = vpow2.f32 v37;
	v7 =	vmul.f32 v6, v58  }
0x116: {  	v22 =	vld [tilespmem:s24+$0x10190];
	v0 =	vadd.f32 v0, v8;
	(erf) = vpow2.f32 v5;
	v6 =	vmul.f32 v6, v59;
	v9 =	vpop (erf)  }
0x117: {  	v51 =	vld [tilespmem:s25+$0x190];
	v3 =	vadd.f32 v3, v7;
	v33 =	vpop (erf);
	(erf) = vpow2.f32 v2;
	v61 =	vmul.f32 v9, v36  }
0x118: {  	v53 =	vld [tilespmem:s25+$0x1A0];
	v6 =	vadd.f32 v0, v6;
	v36 =	vmul.f32 v31, v1;
	v63 =	vmul.f32 v9, v19  }
0x119: {  	v30 =	vld [tilespmem:s24+$0x101B0];
	v49 =	vadd.f32 v3, v10;
	v8 =	vpop (erf);
	(erf) = vpow2.f32 v56;
	v62 =	vmul.f32 v33, v44  }
0x11a: {  	v55 =	vld [tilespmem:$0x1F970];
	v6 =	vadd.f32 v6, v14;
	v10 =	vmul.f32 v33, v25;
	v15 =	vmul.f32 v33, v15  }
0x11b: {  	v50 =	vld [tilespmem:s25+$0x180];
	v57 =	vadd.f32 v33, v9;
	v44 =	vmul.f32 v8, v42;
	v38 =	vmul.f32 v31, v49  }
0x11c: {  	v25 =	vld [tilespmem:$0x1F990];
	v7 =	vpop (erf);
	v31 =	vmul.f32 v31, v6;
	v48 =	vmul.f32 v8, v23  }
0x11d: {  	v12 =	vmul.f32 v8, v12;
	v42 =	vld [tilespmem:s25+$0x1F0];
	v60 =	vadd.f32 v57, v8;
	v56 =	vmul.f32 v7, v43  }
0x11e: {  	v34 =	vpop (erf);
	v5 =	vadd.f32 v62, v61;
	v62 =	vld [tilespmem:s25+$0x1B0];
	v61 =	vmul.f32 v51, v22;
	v26 =	vmul.f32 v7, v26  }
0x11f: {  	v6 =	vadd.f32 v10, v63;
	v18 =	vmul.f32 v7, v18;
	v43 =	vld [tilespmem:s25+$0x590];
	v59 =	vmul.f32 v34, v45  }
0x120: {  	v37 =	vpop (erf);
	v2 =	vadd.f32 v60, v7;
	v5 =	vadd.f32 v5, v44;
	v60 =	vmul.f32 v50, v17  }
0x121: {  	v45 =	vmul.f32 v37, v46;
	v46 =	vmul.f32 v53, v24;
	v6 =	vadd.f32 v6, v48  }
0x122: {  	v19 =	vld [tilespmem:s25+$0x1C0];
	v33 =	vmul.f32 v33, v25;
	v2 =	vadd.f32 v2, v34;
	v58 =	vadd.f32 v5, v56  }
0x123: {  	v25 =	vld [tilespmem:s25+$0x5B0];
	v14 =	vadd.f32 v61, v60;
	v56 =	vmul.f32 v9, v55;
	v3 =	vmul.f32 v42, v30  }
0x124: {  	v61 =	vld [tilespmem:$0x1F980];
	v52 =	vmul.f32 v62, v30;
	v0 =	vmul.f32 v43, v22;
	v57 =	vadd.f32 v2, v37  }
0x125: {  	v4 =	vpop (erf);
	v2 =	vadd.f32 v58, v59;
	v49 =	vadd.f32 v46, v14;
	v14 =	vld [tilespmem:s25+$0x1D0];
	v58 =	vmul.f32 v34, v27  }
0x126: {  	v60 =	vadd.f32 v15, v56;
	v56 =	vld [tilespmem:$0x1F9B0];
	v54 =	vmul.f32 v4, v47;
	v47 =	vmul.f32 v37, v28  }
0x127: {  	v46 =	vld [tilespmem:s25+$0x5C0];
	v44 =	vpop (erf);
	v55 =	vmul.f32 v4, v32;
	v1 =	vadd.f32 v57, v4;
	v2 =	vadd.f32 v2, v45  }
0x128: {  	v15 =	vld [tilespmem:s25+$0x9A0];
	v23 =	vadd.f32 v52, v49;
	v48 =	vmul.f32 v44, v41;
	v27 =	vmul.f32 v44, v13  }
0x129: {  	v57 =	vadd.f32 v6, v26;
	v49 =	vld [tilespmem:$0x1F9A0];
	v63 =	vmul.f32 v9, v61;
	v61 =	vmul.f32 v44, v29  }
0x12a: {  	v26 =	vld [tilespmem:s25+$0x1E0];
	v29 =	vmul.f32 v4, v40;
	v1 =	vadd.f32 v1, v44;
	v59 =	vadd.f32 v2, v54  }
0x12b: {  	v45 =	vld [tilespmem:s25+$0x580];
	v2 =	vadd.f32 v60, v12;
	v54 =	vmul.f32 v34, v20;
	v6 =	vadd.f32 v33, v63  }
0x12c: {  	v41 =	vld [tilespmem:s25+$0x5D0];
	(xrf2) =	vadd.scan.msk.f32 $0xffff, v23;
	v7 =	vmul.f32 v7, v56;
	(erf) = vrcp.f32 v1;
	v1 =	vadd.f32 v57, v58  }
0x12d: {  	v63 =	vmul.f32 v4, v11;
	v52 =	vadd.f32 v2, v18;
	v57 =	vadd.f32 v59, v48;
	v59 =	vld [tilespmem:$0x1F9C0]  }
0x12e: {  	v12 =	vld [tilespmem:s25+$0x5A0];
	v40 =	vmul.f32 v14, v22;
	v8 =	vmul.f32 v8, v49  }
0x12f: {  	v56 =	vld [tilespmem:s25+$0xDD0];
	v58 =	vmul.f32 v37, v21;
	v1 =	vadd.f32 v1, v47;
	v9 =	vadd.f32 v52, v54  }
0x130: {  	v18 =	vmul.f32 v37, v16;
	v37 =	vmul.f32 v19, v17;
	v52 =	vld [tilespmem:s25+$0x9D0];
	v6 =	vadd.f32 v6, v8  }
0x131: {  	v49 =	vmul.f32 v44, v39;
	v8 =	vld [tilespmem:s25+$0x5E0];
	v1 =	vadd.f32 v1, v55;
	v9 =	vadd.f32 v9, v58  }
0x132: {  	v2 =	vmul.f32 v41, v22;
	v55 =	vld [tilespmem:s25+$0x980];
	v7 =	vadd.f32 v6, v7;
	v60 =	vmul.f32 v34, v59  }
0x133: {  	v48 =	vld [tilespmem:s25+$0x990];
	v13 =	vmul.f32 v12, v24;
	v1 =	vadd.f32 v1, v61;
	v9 =	vadd.f32 v9, v63  }
0x134: {  	v21 =	vld [tilespmem:s25+$0x9E0];
	v61 =	vmul.f32 v26, v24;
	v63 =	vmul.f32 v45, v17;
	v7 =	vadd.f32 v7, v60  }
0x135: {  	v6 =	vld [tilespmem:s25+$0x5F0];
	v60 =	vadd.f32 v40, v37;
	v37 =	vmul.f32 v25, v30;
	v9 =	vadd.f32 v9, v27  }
0x136: {  	v59 =	vld [tilespmem:s25+$0x9C0];
	v28, _, _ =	vpop (xrf2);
	v11 =	vadd.f32 v0, v63;
	v33 =	vmul.f32 v8, v24;
	v7 =	vadd.f32 v7, v18  }
0x137: {  	v54 =	vld [tilespmem:s25+$0xDC0];
	v63 =	vmul.f32 v52, v22;
	v23 =	vpop (erf);
	(v2sf) =	vpush v28, $0xF;
	v44 =	vmul.f32 v55, v17  }
0x138: {  	v34 =	vld [tilespmem:s25+$0x9B0];
	v18 =	vmul.f32 v23, v1;
	v1 =	vmul.f32 v46, v17;
	v47 =	vadd.f32 v7, v29  }
0x139: {  	v58 =	vld [tilespmem:s25+$0xD80];
	v20 =	vmul.f32 v23, v57;
	v16 =	vmul.f32 v23, v9;
	v9 =	vadd.f32 v61, v60  }
0x13a: {  	v57 =	vld [tilespmem:s25+$0xD90];
	v39 =	vmul.f32 v6, v30;
	v32 =	vadd.f32 v2, v1;
	v7 =	vadd.f32 v47, v49  }
0x13b: {  	[tilespmem:s24+$0x14080] =	vst v36;
	v40 =	vld [tilespmem:s25+$0x9F0];
	v36 =	vadd.f32 v13, v11;
	v60 =	vmul.f32 v15, v24;
	v61 =	vmul.f32 v59, v17  }
0x13c: {  	v49 =	vld [tilespmem:s25+$0xDA0];
	v47 =	vmul.f32 v48, v22;
	v23 =	vmul.f32 v23, v7;
	v7 =	vadd.f32 v33, v32  }
0x13d: {  	v13 =	vmul.f32 v34, v30;
	v28 =	vadd.f32 v3, v9;
	v11 =	vadd.f32 v37, v36;
	v9 =	vld [tilespmem:s25+$0xDE0]  }
0x13e: {  	[tilespmem:s24+$0x14090] =	vst v35;
	v36 =	vmul.f32 v21, v24;
	v5 =	vadd.f32 v47, v44;
	v10 =	vadd.f32 v39, v7;
	v7 =	vld [tilespmem:s25+$0xDB0]  }
0x13f: {  	[tilespmem:s24+$0x140A0] =	vst v38;
	v37 =	vld [tilespmem:s25+$0xDF0];
	v38 =	vadd.f32 v63, v61;
	v44 =	vmul.f32 v57, v22;
	v39 =	vmul.f32 v58, v17  }
0x140: {  	[tilespmem:s24+$0x140B0] =	vst v31;
	v47 =	vadd.f32 v60, v5;
	v17 =	vmul.f32 v54, v17;
	v60 =	vmul.f32 v56, v22  }
0x141: {  	[tilespmem:s24+$0x14110] =	vst v18;
	v1 =	vmul.f32 v40, v30;
	v63 =	vmul.f32 v49, v24;
	v61 =	vadd.f32 v44, v39  }
0x142: {  	v35 =	vld [tilespmem:s25+$0x640];
	v18 =	vadd.f32 v36, v38;
	(xrf2) =	vadd.scan.msk.f32 $0xffff, v28;
	v2 =	vmul.f32 v9, v24;
	v17 =	vadd.f32 v60, v17  }
0x143: {  	v31 =	vld [tilespmem:s24+$0x10210];
	(xrf2) =	vadd.scan.msk.f32 $0xffff, v11;
	v3 =	vadd.f32 v13, v47;
	v4 =	vadd.f32 v63, v61;
	v5 =	vmul.f32 v7, v30  }
0x144: {  	v0 =	vld [tilespmem:s25+$0xA10];
	v24 =	vmul.f32 v37, v30;
	(xrf2) =	vadd.scan.msk.f32 $0xffff, v10;
	v13 =	vadd.f32 v1, v18;
	v17 =	vadd.f32 v2, v17  }
0x145: {  	[tilespmem:s24+$0x14100] =	vst v20;
	v20 =	vld [tilespmem:s24+$0x10200];
	(xrf2) =	vadd.scan.msk.f32 $0xffff, v3;
	v27 =	vadd.f32 v5, v4  }
0x146: {  	v38 =	vld [tilespmem:s25+$0x600];
	(xrf2) =	vadd.scan.msk.f32 $0xffff, v13;
	v29 =	vadd.f32 v24, v17  }
0x147: {  	v33 =	vld [tilespmem:s24+$0x10220];
	(xrf2) =	vadd.scan.msk.f32 $0xffff, v27  }
0x148: {  	v11 =	vld [tilespmem:s24+$0x10230];
	(xrf2) =	vadd.scan.msk.f32 $0xffff, v29  }
0x149: {  	[tilespmem:s24+$0x14130] =	vst v23;
	v23 =	vld [tilespmem:s25+$0x240]  }
0x14a: {  	[tilespmem:$0x1F9F0] =	vst v37;
	v37 =	vld [tilespmem:s25+$0x620]  }
0x14b: {  	v18 =	vld [tilespmem:s25+$0x200]  }
0x14c: {  	v60 =	vld [tilespmem:s25+$0x250];
	v44, _, _ =	vpop (xrf2)  }
0x14d: {  	v1 =	vld [tilespmem:s25+$0x270];
	(v2sf) =	vpush v44, $0xF;
	v47, _, _ =	vpop (xrf2)  }
0x14e: {  	v39 =	vld [tilespmem:s25+$0x650];
	(v2sf) =	vpush v47, $0xF;
	v61, _, _ =	vpop (xrf2)  }
0x14f: {  	v3 =	vld [tilespmem:s25+$0x230];
	(v2sf) =	vpush v61, $0xF;
	v22, _, _ =	vpop (xrf2)  }
0x150: {  	v63 =	vld [tilespmem:s25+$0x260];
	(v2sf) =	vpush v22, $0xF;
	v24, _, _ =	vpop (xrf2)  }
0x151: {  	v2 =	vld [tilespmem:s25+$0x670];
	(v2sf) =	vpush v24, $0xF;
	v27, _, _ =	vpop (xrf2)  }
0x152: {  	v30 =	vld [tilespmem:s25+$0x210];
	(v2sf) =	vpush v27, $0xF;
	v28, _, _ =	vpop (xrf2)  }
0x153: {  	v13 =	vld [tilespmem:s25+$0x610];
	s26 =	spop (v2sf);
	(v2sf) =	vpush v28, $0xF  }
0x154: {  	[tilespmem:s24+$0x14120] =	vst v16;
	v4 =	vld [tilespmem:s25+$0x220]  }
0x155: {  	[tilespmem:$0x1FA50] =	vst v37;
	v17 =	vld [tilespmem:s25+$0xA40]  }
0x156: {  	v36 =	vmul.f32 v23, v20;
	[tilespmem:$0x1F9E0] =	vst v60;
	v5 =	vld [tilespmem:s25+$0x630]  }
0x157: {  	v44 =	vld [tilespmem:s25+$0x660];
	[tilespmem:$0x1F9D0] =	vst v30;
	v29 =	vmul.f32 v18, v20;
	v30 =	vmul.f32 v30, v31  }
0x158: {  	v37 =	vmul.f32 v37, v33;
	[tilespmem:$0x1FA80] =	vst v3;
	v47 =	vmul.f32 v60, v31;
	v22 =	vld [tilespmem:s25+$0xA00]  }
0x159: {  	[tilespmem:$0x1FA40] =	vst v63;
	v60 =	vmul.f32 v3, v11;
	v3 =	vld [tilespmem:s25+$0xA30];
	v10 =	vadd.f32 v30, v29;
	v32 =	vmul.f32 v4, v33  }
0x15a: {  	v16 =	vmul.f32 v1, v11;
	[tilespmem:$0x1FA30] =	vst v4;
	v4 =	vld [tilespmem:s25+$0xA20];
	v61 =	vmul.f32 v63, v33;
	v28 =	vadd.f32 v47, v36  }
0x15b: {  	[tilespmem:$0x1FA00] =	vst v13;
	v13 =	vmul.f32 v13, v31;
	v63 =	vmul.f32 v38, v20;
	v10 =	vadd.f32 v32, v10;
	v32 =	vld [tilespmem:s25+$0xE40]  }
0x15c: {  	[tilespmem:$0x1FA90] =	vst v1;
	v27 =	vmul.f32 v35, v20;
	v36 =	vld [tilespmem:s25+$0xA50];
	s10 =	spop (v2sf);
	v29 =	vadd.f32 v61, v28;
	v28 =	vmul.f32 v39, v31  }
0x15d: {  	[tilespmem:$0x1FA10] =	vst v39;
	v24 =	vadd.f32 v13, v63;
	v13 =	vmul.f32 v0, v31;
	v1 =	vmul.f32 v22, v20;
	v39 =	vld [tilespmem:s25+$0xE00];
	s11 =	spop (v2sf);
	s29 =	smax.f32 s26, s10  }
0x15e: {  	[tilespmem:$0x1FA60] =	vst v44;
	v44 =	vmul.f32 v44, v33;
	s30 =	smax.f32 s29, s11;
	v61 =	vadd.f32 v16, v29;
	v16 =	vadd.f32 v28, v27;
	v28 =	vld [tilespmem:s25+$0xE10];
	s1 =	spop (v2sf)  }
0x15f: {  	v37 =	vadd.f32 v37, v24;
	v24 =	vld [tilespmem:s25+$0xE50];
	v13 =	vadd.f32 v13, v1;
	v29 =	vmul.f32 v4, v33;
	s28 =	smax.f32 s30, s1;
	s0 =	spop (v2sf)  }
0x160: {  	[tilespmem:$0x1FA20] =	vst v0;
	v63 =	vmul.f32 v5, v11;
	v47 =	vld [tilespmem:s25+$0xA60];
	v30 =	vadd.f32 v44, v16;
	v16 =	vmul.f32 v2, v11;
	s30 =	spop (v2sf);
	s31 =	smax.f32 s28, s0  }
0x161: {  	[tilespmem:$0x1FAB0] =	vst v5;
	v5 =	vmul.f32 v17, v20;
	v27 =	vadd.f32 v29, v13;
	v44 =	vld [tilespmem:s25+$0xE20];
	v13 =	vmul.f32 v36, v31;
	s31 =	smax.f32 s31, s30;
	s28 =	spop (v2sf)  }
0x162: {  	[tilespmem:$0x1FAE0] =	vst v3;
	v3 =	vmul.f32 v3, v11;
	v10 =	vadd.f32 v60, v10;
	v1 =	vadd.f32 v16, v30;
	v30 =	vld [tilespmem:s25+$0xE60];
	s12 =	spop (v2sf);
	s31 =	smax.f32 s31, s28  }
0x163: {  	[tilespmem:$0x1FA70] =	vst v4;
	v29 =	vld [tilespmem:s25+$0xA70];
	v4 =	vmul.f32 v39, v20;
	v0 =	vadd.f32 v13, v5;
	v13 =	vmul.f32 v28, v31;
	s31 =	smax.f32 s31, s12  }
0x164: {  	[tilespmem:$0x1FAD0] =	vst v2;
	(xrf2) =	vadd.scan.msk.f32 $0xffff, v10;
	v10 =	vmul.f32 v32, v20;
	v2 =	vadd.f32 v3, v27;
	v27 =	vld [tilespmem:s25+$0xE30];
	s26 =	ssub.f32 s26, s31  }
0x165: {  	v37 =	vadd.f32 v63, v37;
	[tilespmem:$0x1FAA0] =	vst v47;
	v20 =	vmul.f32 v24, v31;
	v4 =	vadd.f32 v13, v4  }
0x166: {  	(xrf2) =	vadd.scan.msk.f32 $0xffff, v61;
	v13 =	vmul.f32 v47, v33;
	v47 =	vmul.f32 v44, v33;
	v16 =	vmov s26  }
0x167: {  	(xrf2) =	vadd.scan.msk.f32 $0xffff, v37;
	v10 =	vadd.f32 v20, v10;
	v61 =	vmul.f32 v30, v33;
	s10 =	ssub.f32 s10, s31;
	v3 =	vadd.f32 $0.0e+00, v16;
	v16 =	vld [tilespmem:s25+$0xE70]  }
0x168: {  	[tilespmem:$0x1FAC0] =	vst v44;
	v5 =	vmul.f32 v29, v11;
	v0 =	vadd.f32 v13, v0;
	v4 =	vadd.f32 v47, v4  }
0x169: {  	[tilespmem:$0x1FB10] =	vst v27;
	v13 =	vmul.f32 v27, v11;
	v63 =	vadd.f32 v61, v10;
	s11 =	ssub.f32 s11, s31;
	v27 =	vmov s10  }
0x16a: {  	(xrf2) =	vadd.scan.msk.f32 $0xffff, v1;
	[tilespmem:$0x1FAF0] =	vst v30;
	v0 =	vadd.f32 v5, v0;
	v30 =	vadd.f32 $0.0e+00, v27  }
0x16b: {  	(xrf2) =	vadd.scan.msk.f32 $0xffff, v2;
	v31 =	vadd.f32 v13, v4;
	s1 =	ssub.f32 s1, s31;
	v33 =	vmov s11;
	v3 =	vmul.f32 $1.442695020e+00, v3  }
0x16c: {  	(xrf2) =	vadd.scan.msk.f32 $0xffff, v0;
	v44 =	vadd.f32 $0.0e+00, v33;
	v37 =	vmul.f32 $1.442695020e+00, v30;
	v11 =	vmul.f32 v16, v11  }
0x16d: {  	s0 =	ssub.f32 s0, s31;
	(xrf2) =	vadd.scan.msk.f32 $0xffff, v31;
	v47 =	vmov s1;
	v3 =	vbroadcast v3, $0x0  }
0x16e: {  	v10, _, _ =	vpop (xrf2);
	s26 =	ssub.f32 s30, s31;
	v61 =	vmul.f32 $1.442695020e+00, v44;
	v0 =	vbroadcast v37, $0x0;
	v1 =	vadd.f32 v11, v63  }
0x16f: {  	(v2sf) =	vpush v10, $0xF;
	s30 =	ssub.f32 s28, s31;
	v60 =	vadd.f32 $0.0e+00, v47;
	(erf) = vpow2.f32 v3  }
0x170: {  	s31 =	ssub.f32 s12, s31;
	v27 =	vmov s26;
	v13 =	vbroadcast v61, $0x0;
	(erf) = vpow2.f32 v0;
	(xrf2) =	vadd.scan.msk.f32 $0xffff, v1  }
0x171: {  	v2 =	vmul.f32 $1.442695020e+00, v60;
	v30 =	vadd.f32 $0.0e+00, v27;
	v63 =	vmov s0  }
0x172: {  	[tilespmem:$0x1FB00] =	vst v29;
	v44 =	vmov s31;
	v3 =	vadd.f32 $0.0e+00, v63;
	(erf) = vpow2.f32 v13;
	v11, _, _ =	vpop (xrf2)  }
0x173: {  	v4 =	vadd.f32 $0.0e+00, v44;
	v37 =	vmov s30;
	[tilespmem:$0x1FB20] =	vst v16;
	v16 =	vbroadcast v2, $0x0;
	v29, _, _ =	vpop (xrf2)  }
0x174: {  	v0 =	vmul.f32 $1.442695020e+00, v30;
	v20 =	vmul.f32 $1.442695020e+00, v3;
	v3 =	vadd.f32 $0.0e+00, v37;
	v31, _, _ =	vpop (xrf2)  }
0x175: {  	v63 =	vmul.f32 $1.442695020e+00, v4;
	(erf) = vpow2.f32 v16;
	(v2sf) =	vpush v11, $0xF;
	v47, _, _ =	vpop (xrf2)  }
0x176: {  	(v2sf) =	vpush v29, $0xF;
	v33 =	vbroadcast v20, $0x0;
	v61 =	vmul.f32 $1.442695020e+00, v3;
	v60, _, _ =	vpop (xrf2)  }
0x177: {  	v0 =	vbroadcast v0, $0x0;
	v16 =	vbroadcast v63, $0x0;
	(v2sf) =	vpush v31, $0xF;
	v10, _, _ =	vpop (xrf2)  }
0x178: {  	(v2sf) =	vpush v47, $0xF;
	(erf) = vpow2.f32 v33;
	v13 =	vbroadcast v61, $0x0;
	v2 =	vpop (erf)  }
0x179: {  	(v2sf) =	vpush v60, $0xF;
	(erf) = vpow2.f32 v0;
	v4 =	vpop (erf);
	v20 =	vmul.f32 v2, v50  }
0x17a: {  	(v2sf) =	vpush v10, $0xF;
	(erf) = vpow2.f32 v13;
	v37 =	vmul.f32 v2, v51;
	v11, _, _ =	vpop (xrf2)  }
0x17b: {  	v27 =	vmul.f32 v4, v19;
	v0 =	vpop (erf);
	(erf) = vpow2.f32 v16;
	(v2sf) =	vpush v11, $0xF  }
0x17c: {  	v29 =	vadd.f32 v4, v2;
	v44 =	vmul.f32 v4, v14;
	v60 =	vmul.f32 v4, v26  }
0x17d: {  	v4 =	vmul.f32 v4, v42;
	v31 =	vmul.f32 v0, v45  }
0x17e: {  	v14 =	vpop (erf);
	v12 =	vmul.f32 v0, v12;
	v30 =	vadd.f32 v27, v20;
	v33 =	vadd.f32 v29, v0  }
0x17f: {  	v45 =	vmul.f32 v14, v46;
	v46 =	vmul.f32 v0, v43;
	v11 =	vadd.f32 v44, v37  }
0x180: {  	v50 =	vmul.f32 v14, v41;
	v8 =	vmul.f32 v14, v8;
	v1 =	vadd.f32 v30, v31  }
0x181: {  	v0 =	vmul.f32 v0, v25;
	v6 =	vmul.f32 v14, v6;
	v11 =	vadd.f32 v11, v46  }
0x182: {  	v37 =	vmul.f32 v2, v62;
	v10 =	vadd.f32 v33, v14;
	v19 =	vpop (erf);
	v1 =	vadd.f32 v1, v45  }
0x183: {  	s1 =	spop (v2sf);
	v47 =	vmul.f32 v19, v55;
	v31 =	vpop (erf);
	v11 =	vadd.f32 v11, v50;
	v55 =	vmul.f32 v19, v48  }
0x184: {  	v4 =	vadd.f32 v4, v37;
	v51 =	vmul.f32 v31, v59;
	s10 =	spop (v2sf);
	v59 =	vmul.f32 v2, v53  }
0x185: {  	v45 =	vpop (erf);
	v61 =	vmul.f32 v31, v52;
	v1 =	vadd.f32 v1, v47;
	s12 =	spop (v2sf);
	s31 =	smax.f32 s1, s10;
	v11 =	vadd.f32 v11, v55  }
0x186: {  	v10 =	vadd.f32 v10, v19;
	v63 =	vmul.f32 v45, v58;
	s26 =	spop (v2sf);
	s11 =	smax.f32 s31, s12;
	v3 =	vadd.f32 v60, v59  }
0x187: {  	v41 =	vpop (erf);
	v16 =	vmul.f32 v45, v57;
	v58 =	vld [tilespmem:s25+$0x290];
	v1 =	vadd.f32 v1, v51;
	s28 =	spop (v2sf);
	s11 =	smax.f32 s11, s26;
	v11 =	vadd.f32 v11, v61  }
0x188: {  	v10 =	vadd.f32 v10, v31;
	v26 =	vmul.f32 v41, v56;
	v56 =	vld [tilespmem:s25+$0x2E0];
	s29 =	spop (v2sf);
	s11 =	smax.f32 s11, s28;
	v3 =	vadd.f32 v3, v12  }
0x189: {  	v20 =	vmul.f32 v41, v54;
	v12 =	vld [tilespmem:s24+$0x102A0];
	s30 =	spop (v2sf);
	s11 =	smax.f32 s11, s29;
	v1 =	vadd.f32 v1, v63;
	v11 =	vadd.f32 v11, v16  }
0x18a: {  	v27 =	vmul.f32 v19, v15;
	v10 =	vadd.f32 v10, v45;
	v63 =	vld [tilespmem:s25+$0x2D0];
	s11 =	smax.f32 s11, s30;
	v3 =	vadd.f32 v3, v8;
	s31 =	spop (v2sf)  }
0x18b: {  	v52 =	vmul.f32 v19, v34;
	v1 =	vadd.f32 v1, v20;
	v29 =	vadd.f32 v11, v26;
	v26 =	vld [tilespmem:s24+$0x10290];
	s11 =	smax.f32 s11, s31  }
0x18c: {  	v0 =	vadd.f32 v4, v0;
	v40 =	vmul.f32 v31, v40;
	v13 =	vmul.f32 v45, v49;
	s0 =	ssub.f32 s1, s11  }
0x18d: {  	v10 =	vadd.f32 v10, v41;
	v11 =	vmul.f32 v31, v21;
	[tilespmem:$0x1FC40] =	vst v1;
	v1 =	vadd.f32 v3, v27;
	s1 =	ssub.f32 s10, s11  }
0x18e: {  	v0 =	vadd.f32 v0, v6;
	v7 =	vmul.f32 v45, v7;
	v9 =	vmul.f32 v41, v9;
	s12 =	ssub.f32 s12, s11  }
0x18f: {  	v25 =	vld [tilespmem:s25+$0x2A0];
	(erf) = vrcp.f32 v10;
	v1 =	vadd.f32 v1, v11;
	v11 =	vmul.f32 v56, v12;
	s26 =	ssub.f32 s26, s11  }
0x190: {  	v4 =	vld [tilespmem:s25+$0x6F0];
	v0 =	vadd.f32 v0, v52;
	s10 =	ssub.f32 s28, s11;
	v52 =	vmul.f32 v58, v26;
	v55 =	vmul.f32 v63, v26  }
0x191: {  	v2 =	vld [tilespmem:s24+$0x102B0];
	s28 =	ssub.f32 s31, s11;
	v1 =	vadd.f32 v1, v13;
	v30 =	vmov s0;
	v33 =	vmov s1  }
0x192: {  	v6 =	vld [tilespmem:s25+$0xAB0];
	v43 =	vmov s12;
	v44 =	vmov s26;
	v8 =	vadd.f32 $0.0e+00, v30  }
0x193: {  	v54 =	vld [tilespmem:s25+$0x280];
	v47 =	vmov s10;
	v62 =	vmov s28;
	v10 =	vadd.f32 $0.0e+00, v33  }
0x194: {  	v61 =	vld [tilespmem:s25+$0x2F0];
	v20 =	vadd.f32 $0.0e+00, v43;
	v46 =	vadd.f32 $0.0e+00, v44;
	v8 =	vmul.f32 $1.442695020e+00, v8  }
0x195: {  	v21 =	vld [tilespmem:s25+$0x2B0];
	v1 =	vadd.f32 v1, v9;
	v9 =	vmul.f32 v25, v12;
	v10 =	vmul.f32 $1.442695020e+00, v10  }
0x196: {  	v3 =	vld [tilespmem:s24+$0x10280];
	s12 =	ssub.f32 s29, s11;
	v49 =	vadd.f32 $0.0e+00, v47;
	v20 =	vmul.f32 $1.442695020e+00, v20;
	v8 =	vbroadcast v8, $0x0  }
0x197: {  	[tilespmem:$0x1FC60] =	vst v29;
	v29 =	vld [tilespmem:s25+$0x680];
	s26 =	ssub.f32 s30, s11;
	v19 =	vadd.f32 $0.0e+00, v62;
	v48 =	vmul.f32 $1.442695020e+00, v46;
	v10 =	vbroadcast v10, $0x0  }
0x198: {  	v44 =	vld [tilespmem:s25+$0x2C0];
	v51 =	vmov s12;
	v14 =	vmul.f32 $1.442695020e+00, v49;
	(erf) = vpow2.f32 v8  }
0x199: {  	[tilespmem:$0x1FB30] =	vst v25;
	v25 =	vld [tilespmem:s25+$0xEC0];
	v60 =	vmov s26;
	v50 =	vbroadcast v20, $0x0;
	(erf) = vpow2.f32 v10  }
0x19a: {  	v53 =	vadd.f32 $0.0e+00, v51;
	v34 =	vmul.f32 $1.442695020e+00, v19;
	v46 =	vld [tilespmem:s25+$0x6D0];
	v8 =	vbroadcast v48, $0x0  }
0x19b: {  	v15 =	vadd.f32 $0.0e+00, v60;
	v60 =	vld [tilespmem:s25+$0x6E0];
	v51 =	vmul.f32 v54, v3;
	(erf) = vpow2.f32 v50  }
0x19c: {  	v57 =	vbroadcast v14, $0x0;
	v48 =	vld [tilespmem:s25+$0x690];
	(erf) = vpow2.f32 v8  }
0x19d: {  	v30 =	vpop (erf);
	v19 =	vld [tilespmem:s25+$0xE80];
	v59 =	vmul.f32 $1.442695020e+00, v53;
	v33 =	vmul.f32 $1.442695020e+00, v15  }
0x19e: {  	[tilespmem:$0x1FC50] =	vst v30;
	v30 =	vld [tilespmem:s25+$0xAE0];
	v43 =	vbroadcast v34, $0x0;
	v53 =	vmul.f32 v44, v3  }
0x19f: {  	v0 =	vadd.f32 v0, v40;
	v27 =	vbroadcast v59, $0x0;
	v42 =	vbroadcast v33, $0x0;
	v33 =	vld [tilespmem:s25+$0xAD0]  }
0x1a0: {  	v20 =	vld [tilespmem:s25+$0xA80];
	v13 =	vadd.f32 v55, v53;
	v10 =	vmul.f32 v21, v2;
	v53 =	vmul.f32 v46, v26  }
0x1a1: {  	v34 =	vadd.f32 v0, v7;
	v59 =	vld [tilespmem:s25+$0xAA0];
	(erf) = vpow2.f32 v57;
	v45 =	vmul.f32 v48, v26;
	v37 =	vpop (erf)  }
0x1a2: {  	v0 =	vadd.f32 v52, v51;
	(erf) = vpow2.f32 v27;
	v27 =	vld [tilespmem:s25+$0x6C0];
	v15 =	vpop (erf);
	v47 =	vmul.f32 v37, v18  }
0x1a3: {  	v57 =	vld [tilespmem:s25+$0x6A0];
	(erf) = vpow2.f32 v42;
	v49 =	vmul.f32 v15, v23  }
0x1a4: {  	v0 =	vadd.f32 v9, v0;
	v8 =	vld [tilespmem:s25+$0x6B0];
	v40 =	vmul.f32 v33, v26;
	v23 =	vpop (erf);
	(erf) = vpow2.f32 v43  }
0x1a5: {  	[tilespmem:$0x1FC70] =	vst v1;
	v43 =	vld [tilespmem:s25+$0xA90];
	v50 =	vmul.f32 v23, v38;
	v16 =	vpop (erf);
	v38 =	vmul.f32 v29, v3;
	v1 =	vadd.f32 v49, v47  }
0x1a6: {  	[tilespmem:$0x1FB60] =	vst v4;
	v62 =	vmul.f32 v16, v35;
	v47 =	vadd.f32 v11, v13;
	v11 =	vmul.f32 v4, v2;
	v4 =	vld [tilespmem:s25+$0xEE0]  }
0x1a7: {  	v18 =	vld [tilespmem:s25+$0xAC0];
	v49 =	vmul.f32 v61, v2;
	v35 =	vadd.f32 v10, v0;
	v52 =	vmul.f32 v27, v3  }
0x1a8: {  	[tilespmem:$0x1FB70] =	vst v6;
	v55 =	vld [tilespmem:s25+$0xAF0];
	v51 =	vmul.f32 v57, v12;
	v1 =	vadd.f32 v1, v50;
	v50 =	vadd.f32 v45, v38  }
0x1a9: {  	[tilespmem:$0x1FB40] =	vst v21;
	v9 =	vmul.f32 v8, v2;
	v5 =	vadd.f32 v49, v47;
	v45 =	vld [tilespmem:s25+$0xE90];
	v21 =	vadd.f32 v53, v52  }
0x1aa: {  	[tilespmem:$0x1FB50] =	vst v8;
	v10 =	vmul.f32 v60, v12;
	v49 =	vld [tilespmem:s25+$0xED0];
	v42 =	vadd.f32 v1, v62;
	v62 =	vadd.f32 v51, v50  }
0x1ab: {  	v0 =	vmul.f32 v20, v3;
	v47 =	vld [tilespmem:s25+$0xEA0];
	v7 =	vmul.f32 v43, v26;
	[tilespmem:$0x1FBC0] =	vst v4  }
0x1ac: {  	v51 =	vadd.f32 v10, v21;
	v21 =	vmul.f32 v18, v3;
	v50 =	vadd.f32 v9, v62;
	v9 =	vld [tilespmem:s25+$0xEB0]  }
0x1ad: {  	v14 =	vmul.f32 v59, v12;
	v13 =	vmul.f32 v6, v2;
	v8 =	vld [tilespmem:s25+$0xEF0]  }
0x1ae: {  	v31 =	vadd.f32 v7, v0;
	v6 =	vld [tilespmem:s24+$0x10300];
	v0 =	vadd.f32 v40, v21;
	v21 =	vmul.f32 v19, v3  }
0x1af: {  	v7 =	vld [tilespmem:s24+$0x10320];
	v3 =	vmul.f32 v25, v3;
	v52 =	vmul.f32 v49, v26  }
0x1b0: {  	v62 =	vadd.f32 v14, v31;
	v14 =	vmul.f32 v30, v12;
	v40 =	vmul.f32 v45, v26;
	v26 =	vld [tilespmem:s24+$0x10310]  }
0x1b1: {  	v38 =	vadd.f32 v11, v51;
	v3 =	vadd.f32 v52, v3;
	v52 =	vld [tilespmem:s25+$0x320]  }
0x1b2: {  	v10 =	vmul.f32 v47, v12;
	v51 =	vadd.f32 v14, v0;
	v31 =	vadd.f32 v40, v21;
	v0 =	vld [tilespmem:s25+$0x330]  }
0x1b3: {  	v53 =	vadd.f32 v13, v62;
	v21 =	vmul.f32 v55, v2;
	v14 =	vld [tilespmem:$0x1FA00]  }
0x1b4: {  	(xrf2) =	vadd.scan.msk.f32 $0xffff, v35;
	v62 =	vadd.f32 v15, v37;
	v1 =	vadd.f32 v10, v31;
	v31 =	vld [tilespmem:s24+$0x10330]  }
0x1b5: {  	(xrf2) =	vadd.scan.msk.f32 $0xffff, v5;
	v51 =	vadd.f32 v21, v51;
	v21 =	vld [tilespmem:s25+$0x300]  }
0x1b6: {  	(xrf2) =	vadd.scan.msk.f32 $0xffff, v50;
	v35 =	vadd.f32 v62, v23;
	v62 =	vld [tilespmem:$0x1F9D0]  }
0x1b7: {  	(xrf2) =	vadd.scan.msk.f32 $0xffff, v38;
	[tilespmem:$0x1FB80] =	vst v9;
	v40 =	vmul.f32 v9, v2;
	v9 =	vld [tilespmem:$0x1F9E0]  }
0x1b8: {  	v11 =	vmul.f32 v4, v12;
	v13 =	vpop (erf);
	(xrf2) =	vadd.scan.msk.f32 $0xffff, v53;
	v53 =	vld [tilespmem:$0x1F9F0]  }
0x1b9: {  	v22 =	vmul.f32 v13, v22;
	[tilespmem:$0x1FBD0] =	vst v8;
	v2 =	vmul.f32 v8, v2;
	v8 =	vld [tilespmem:s25+$0x310];
	v35 =	vadd.f32 v35, v16  }
0x1ba: {  	v12 =	vpop (erf);
	v5 =	vadd.f32 v11, v3;
	v3 =	vld [tilespmem:s25+$0x730]  }
0x1bb: {  	v38 =	vmul.f32 v12, v17;
	v22 =	vadd.f32 v42, v22;
	v11 =	vadd.f32 v35, v13;
	v35 =	vld [tilespmem:$0x1FA10]  }
0x1bc: {  	v42 =	vld [tilespmem:$0x1FA20];
	v1 =	vadd.f32 v40, v1;
	v4 =	vmul.f32 v37, v62;
	v10 =	vmul.f32 v15, v9  }
0x1bd: {  	v5 =	vadd.f32 v2, v5;
	v2 =	vld [tilespmem:s25+$0x750];
	v17 =	vmul.f32 v23, v14;
	v62 =	vmul.f32 v41, v53;
	v41 =	vpop (erf)  }
0x1be: {  	(xrf2) =	vadd.scan.msk.f32 $0xffff, v51;
	v14 =	vld [tilespmem:s25+$0x340];
	v39 =	vmul.f32 v41, v39;
	v40 =	vadd.f32 v10, v4  }
0x1bf: {  	(xrf2) =	vadd.scan.msk.f32 $0xffff, v1;
	v9 =	vld [tilespmem:s25+$0x360];
	v1 =	vadd.f32 v11, v12  }
0x1c0: {  	v22 =	vadd.f32 v22, v38;
	(xrf2) =	vadd.scan.msk.f32 $0xffff, v5;
	v11 =	vld [tilespmem:s25+$0x350];
	v5 =	vadd.f32 v40, v17;
	v38 =	vmul.f32 v16, v35  }
0x1c1: {  	v50 =	vmul.f32 v13, v42;
	v42 =	vld [tilespmem:s25+$0x710];
	v34 =	vadd.f32 v34, v62;
	v1 =	vadd.f32 v1, v41;
	v17 =	vpop (erf)  }
0x1c2: {  	v4 =	vld [tilespmem:s25+$0x370];
	v40 =	vadd.f32 v22, v39;
	v39, _, _ =	vpop (xrf2);
	v5 =	vadd.f32 v5, v38  }
0x1c3: {  	v10 =	vld [tilespmem:s25+$0x720];
	v1 =	vadd.f32 v1, v17;
	(v2sf) =	vpush v39, $0xF;
	v51, _, _ =	vpop (xrf2)  }
0x1c4: {  	(v2sf) =	vpush v51, $0xF;
	v53, _, _ =	vpop (xrf2);
	v5 =	vadd.f32 v5, v50;
	v50 =	vld [tilespmem:$0x1FA30]  }
0x1c5: {  	v62 =	vmul.f32 v12, v36;
	v32 =	vmul.f32 v17, v32;
	(v2sf) =	vpush v53, $0xF;
	v53 =	vld [tilespmem:$0x1FA40]  }
0x1c6: {  	v22 =	vld [tilespmem:s25+$0x700];
	v36 =	vmul.f32 v17, v24;
	(erf) = vrcp.f32 v1;
	v35, _, _ =	vpop (xrf2)  }
0x1c7: {  	v24 =	vld [tilespmem:s25+$0xB00];
	v1 =	vmul.f32 v41, v28;
	(v2sf) =	vpush v35, $0xF;
	v39, _, _ =	vpop (xrf2);
	v5 =	vadd.f32 v5, v62  }
0x1c8: {  	v38 =	vadd.f32 v40, v32;
	v32 =	vld [tilespmem:s25+$0x760];
	(v2sf) =	vpush v39, $0xF;
	v40, _, _ =	vpop (xrf2)  }
0x1c9: {  	(v2sf) =	vpush v40, $0xF;
	v35, _, _ =	vpop (xrf2);
	v1 =	vadd.f32 v5, v1;
	v51 =	vmul.f32 v37, v50;
	v50 =	vld [tilespmem:$0x1FA50]  }
0x1ca: {  	[tilespmem:$0x1FB90] =	vst v8;
	(v2sf) =	vpush v35, $0xF;
	v40, _, _ =	vpop (xrf2);
	v62 =	vmul.f32 v15, v53;
	v53 =	vld [tilespmem:$0x1FA60]  }
0x1cb: {  	[tilespmem:$0x1FC80] =	vst v34;
	(v2sf) =	vpush v40, $0xF;
	v1 =	vadd.f32 v1, v36;
	v36 =	vld [tilespmem:$0x1FA70]  }
0x1cc: {  	v34 =	vmul.f32 v14, v6;
	[tilespmem:$0x1FCA0] =	vst v38;
	v38 =	vld [tilespmem:s25+$0x740];
	v39 =	vmul.f32 v52, v7  }
0x1cd: {  	v5 =	vmul.f32 v8, v26;
	v8 =	vld [tilespmem:s25+$0xB20];
	[tilespmem:$0x1FCC0] =	vst v1;
	v1 =	vmul.f32 v21, v6  }
0x1ce: {  	[tilespmem:$0x1FC00] =	vst v52;
	v52 =	vmul.f32 v42, v26;
	v35 =	vld [tilespmem:s25+$0xB30];
	v28 =	vadd.f32 v62, v51;
	v51 =	vmul.f32 v23, v50  }
0x1cf: {  	[tilespmem:$0x1FD00] =	vst v0;
	v40 =	vld [tilespmem:s25+$0x770];
	v62 =	vmul.f32 v16, v53;
	v1 =	vadd.f32 v5, v1;
	v50 =	vmul.f32 v11, v26  }
0x1d0: {  	[tilespmem:$0x1FD20] =	vst v3;
	v5 =	vmul.f32 v22, v6;
	v28 =	vadd.f32 v28, v51;
	v51 =	vmul.f32 v13, v36;
	v36 =	vld [tilespmem:s25+$0xB10]  }
0x1d1: {  	[tilespmem:$0x1FC10] =	vst v9;
	v53 =	vmul.f32 v0, v31;
	v1 =	vadd.f32 v39, v1;
	v39 =	vld [tilespmem:s25+$0xB40];
	v34 =	vadd.f32 v50, v34  }
0x1d2: {  	[tilespmem:$0x1FBB0] =	vst v42;
	v50 =	vld [tilespmem:s25+$0xB50];
	v42 =	vadd.f32 v52, v5;
	v28 =	vadd.f32 v28, v62;
	v62 =	vmul.f32 v9, v7  }
0x1d3: {  	[tilespmem:$0x1FBA0] =	vst v11;
	v52 =	vld [tilespmem:s25+$0xB60];
	v5 =	vmul.f32 v38, v6;
	s31 =	spop (v2sf);
	v11 =	vadd.f32 v53, v1;
	v9 =	vmul.f32 v10, v7  }
0x1d4: {  	[tilespmem:$0x1FC20] =	vst v10;
	s10 =	spop (v2sf);
	v1 =	vmul.f32 v2, v26;
	v53 =	vld [tilespmem:s25+$0xF10];
	v10 =	vadd.f32 v62, v34;
	v34 =	vmul.f32 v4, v31  }
0x1d5: {  	[tilespmem:$0x1FD10] =	vst v4;
	s11 =	spop (v2sf);
	s29 =	smax.f32 s31, s10;
	v28 =	vadd.f32 v28, v51;
	v51 =	vld [tilespmem:s25+$0xF00];
	v4 =	vmul.f32 v3, v31;
	v3 =	vadd.f32 v9, v42  }
0x1d6: {  	[tilespmem:$0x1FBE0] =	vst v2;
	v62 =	vld [tilespmem:s25+$0xF40];
	v42 =	vmul.f32 v24, v6;
	s0 =	spop (v2sf);
	s30 =	smax.f32 s29, s11;
	v10 =	vadd.f32 v34, v10;
	v34 =	vmul.f32 v36, v26  }
0x1d7: {  	v1 =	vadd.f32 v1, v5;
	[tilespmem:$0x1FBF0] =	vst v36;
	s1 =	spop (v2sf);
	s26 =	smax.f32 s30, s0;
	v9 =	vadd.f32 v4, v3;
	v36 =	vld [tilespmem:s25+$0xF50];
	v4 =	vmul.f32 v32, v7  }
0x1d8: {  	[tilespmem:$0x1FC30] =	vst v32;
	s28 =	spop (v2sf);
	s26 =	smax.f32 s26, s1;
	v0 =	vadd.f32 v34, v42;
	v34 =	vld [tilespmem:s25+$0xB70];
	v42 =	vmul.f32 v8, v7  }
0x1d9: {  	[tilespmem:$0x1FC90] =	vst v8;
	v5 =	vmul.f32 v39, v6;
	s29 =	spop (v2sf);
	s12 =	smax.f32 s26, s28;
	v32 =	vadd.f32 v4, v1;
	v1 =	vld [tilespmem:s25+$0xF20];
	v4 =	vmul.f32 v50, v26  }
0x1da: {  	[tilespmem:$0x1FCB0] =	vst v52;
	s26 =	spop (v2sf);
	s30 =	smax.f32 s12, s29;
	v8 =	vmul.f32 v51, v6;
	v2 =	vadd.f32 v42, v0;
	v0 =	vmul.f32 v52, v7;
	v52 =	vld [tilespmem:$0x1FA80]  }
0x1db: {  	[tilespmem:$0x1FD40] =	vst v35;
	(xrf2) =	vadd.scan.msk.f32 $0xffff, v11;
	v3 =	vmul.f32 v62, v6;
	v6 =	vmul.f32 v40, v31;
	s30 =	smax.f32 s30, s26;
	v42 =	vld [tilespmem:s25+$0xF60]  }
0x1dc: {  	[tilespmem:$0x1FD30] =	vst v40;
	(xrf2) =	vadd.scan.msk.f32 $0xffff, v10;
	v40 =	vld [tilespmem:s25+$0xF30];
	v4 =	vadd.f32 v4, v5;
	v5 =	vmul.f32 v35, v31;
	s11 =	ssub.f32 s11, s30  }
0x1dd: {  	(xrf2) =	vadd.scan.msk.f32 $0xffff, v9;
	v35 =	vadd.f32 v6, v32;
	v6 =	vmul.f32 v53, v26;
	v11 =	vmul.f32 v36, v26;
	v32 =	vld [tilespmem:s25+$0xF70]  }
0x1de: {  	[tilespmem:$0x1FD50] =	vst v36;
	v2 =	vadd.f32 v5, v2;
	v0 =	vadd.f32 v0, v4;
	v9 =	vmov s11  }
0x1df: {  	[tilespmem:$0x1FD70] =	vst v34;
	v36 =	vadd.f32 v6, v8;
	v26 =	vmul.f32 v37, v52;
	v37 =	vmul.f32 v1, v7  }
0x1e0: {  	v5 =	vld [tilespmem:$0x1FAA0];
	v3 =	vadd.f32 v11, v3;
	v34 =	vmul.f32 v34, v31;
	[tilespmem:$0x1FD60] =	vst v42;
	v42 =	vmul.f32 v42, v7  }
0x1e1: {  	v10 =	vld [tilespmem:$0x1FAB0];
	s31 =	ssub.f32 s31, s30;
	[tilespmem:$0x1FCE0] =	vst v1;
	(xrf2) =	vadd.scan.msk.f32 $0xffff, v35;
	v1 =	vadd.f32 v37, v36;
	v36 =	vmul.f32 v40, v31  }
0x1e2: {  	[tilespmem:$0x1FD80] =	vst v40;
	v0 =	vadd.f32 v34, v0;
	v37 =	vadd.f32 v42, v3;
	v40 =	vmul.f32 v32, v31  }
0x1e3: {  	s10 =	ssub.f32 s10, s30;
	v11 =	vadd.f32 $0.0e+00, v9;
	(xrf2) =	vadd.scan.msk.f32 $0xffff, v2;
	v52 =	vmov s31;
	v42 =	vld [tilespmem:$0x1FA90];
	v1 =	vadd.f32 v36, v1  }
0x1e4: {  	v35 =	vadd.f32 $0.0e+00, v52;
	(xrf2) =	vadd.scan.msk.f32 $0xffff, v0;
	v52 =	vadd.f32 v40, v37  }
0x1e5: {  	v7 =	vmov s10;
	v2 =	vmul.f32 v12, v5;
	(xrf2) =	vadd.scan.msk.f32 $0xffff, v1  }
0x1e6: {  	s1 =	ssub.f32 s1, s30;
	v3 =	vadd.f32 $0.0e+00, v7;
	v5 =	vmul.f32 v23, v10;
	v23, _, _ =	vpop (xrf2);
	v0 =	vmul.f32 $1.442695020e+00, v11;
	(xrf2) =	vadd.scan.msk.f32 $0xffff, v52  }
0x1e7: {  	s12 =	ssub.f32 s28, s30;
	v4 =	vmul.f32 $1.442695020e+00, v35;
	(v2sf) =	vpush v23, $0xF;
	v31, _, _ =	vpop (xrf2);
	v2 =	vadd.f32 v28, v2  }
0x1e8: {  	s0 =	ssub.f32 s0, s30;
	v28 =	vmov s1;
	(v2sf) =	vpush v31, $0xF;
	v6 =	vmul.f32 v15, v42  }
0x1e9: {  	v0 =	vbroadcast v0, $0x0;
	v40 =	vmov s12;
	v8 =	vbroadcast v4, $0x0  }
0x1ea: {  	s28 =	ssub.f32 s29, s30;
	[tilespmem:$0x1FDB0] =	vst v32;
	v32, _, _ =	vpop (xrf2);
	v15 =	vmul.f32 $1.442695020e+00, v3;
	v4 =	vadd.f32 v6, v26;
	v26 =	vmov s0  }
0x1eb: {  	(v2sf) =	vpush v32, $0xF;
	(erf) = vpow2.f32 v8;
	v3 =	vadd.f32 $0.0e+00, v26  }
0x1ec: {  	v42 =	vmov s28;
	v35, _, _ =	vpop (xrf2);
	v1 =	vbroadcast v15, $0x0;
	v6 =	vadd.f32 $0.0e+00, v28  }
0x1ed: {  	v9 =	vadd.f32 $0.0e+00, v42;
	(v2sf) =	vpush v35, $0xF;
	v37, _, _ =	vpop (xrf2);
	v26 =	vld [tilespmem:$0x1FAC0];
	v34 =	vmul.f32 $1.442695020e+00, v3  }
0x1ee: {  	(v2sf) =	vpush v37, $0xF;
	(erf) = vpow2.f32 v1;
	v36 =	vmul.f32 $1.442695020e+00, v6;
	v52, _, _ =	vpop (xrf2)  }
0x1ef: {  	(erf) = vpow2.f32 v0;
	(v2sf) =	vpush v52, $0xF;
	v1 =	vbroadcast v34, $0x0;
	v10, _, _ =	vpop (xrf2)  }
0x1f0: {  	v3 =	vadd.f32 $0.0e+00, v40;
	v0 =	vbroadcast v36, $0x0;
	(v2sf) =	vpush v10, $0xF;
	v15, _, _ =	vpop (xrf2)  }
0x1f1: {  	(erf) = vpow2.f32 v1;
	v1 =	vmul.f32 $1.442695020e+00, v9;
	(v2sf) =	vpush v15, $0xF  }
0x1f2: {  	v28 =	vld [tilespmem:$0x1FAD0];
	v11 =	vmul.f32 $1.442695020e+00, v3;
	v6 =	vmul.f32 v41, v26  }
0x1f3: {  	s29 =	ssub.f32 s26, s30;
	v1 =	vbroadcast v1, $0x0  }
0x1f4: {  	v35 =	vld [tilespmem:$0x1FAE0];
	(erf) = vpow2.f32 v0;
	v0 =	vbroadcast v11, $0x0  }
0x1f5: {  	v23 =	vmov s29;
	v32 =	vpop (erf);
	v36 =	vld [tilespmem:$0x1FAF0]  }
0x1f6: {  	v3 =	vadd.f32 $0.0e+00, v23;
	v2 =	vadd.f32 v2, v6;
	(erf) = vpow2.f32 v0;
	v6 =	vpop (erf)  }
0x1f7: {  	v4 =	vadd.f32 v4, v5;
	v5 =	vmul.f32 v16, v28;
	(erf) = vpow2.f32 v1;
	v1 =	vpop (erf)  }
0x1f8: {  	v31 =	vmul.f32 $1.442695020e+00, v3;
	v42 =	vmul.f32 v1, v44;
	v44 =	vld [tilespmem:$0x1FB00]  }
0x1f9: {  	v34 =	vadd.f32 v4, v5;
	v4 =	vmul.f32 v13, v35;
	s0 =	spop (v2sf)  }
0x1fa: {  	v5 =	vmul.f32 v17, v36;
	v0 =	vbroadcast v31, $0x0;
	s1 =	spop (v2sf)  }
0x1fb: {  	v3 =	vadd.f32 v34, v4;
	v40 =	vmul.f32 v6, v54;
	s10 =	spop (v2sf);
	s30 =	smax.f32 s0, s1;
	v15 =	vmul.f32 v6, v58  }
0x1fc: {  	v2 =	vadd.f32 v2, v5;
	s11 =	smax.f32 s30, s10;
	v9 =	vpop (erf);
	(erf) = vpow2.f32 v0;
	v16 =	vmul.f32 v1, v63;
	s31 =	spop (v2sf)  }
0x1fd: {  	v37 =	vadd.f32 v1, v6;
	v36 =	vmul.f32 v1, v56;
	s12 =	spop (v2sf);
	s11 =	smax.f32 s11, s31;
	v10 =	vmul.f32 v12, v44;
	v12 =	vld [tilespmem:$0x1FB10]  }
0x1fe: {  	v11 =	vmul.f32 v9, v29;
	v26 =	vmul.f32 v9, v48;
	v54 =	vadd.f32 v42, v40;
	v5 =	vpop (erf);
	s11 =	smax.f32 s11, s12;
	s29 =	spop (v2sf)  }
0x1ff: {  	v13 =	vmul.f32 v5, v27;
	v27 =	vld [tilespmem:$0x1FB20];
	s11 =	smax.f32 s11, s29;
	v3 =	vadd.f32 v3, v10;
	v10 =	vadd.f32 v16, v15;
	s26 =	spop (v2sf)  }
0x200: {  	v58 =	vmul.f32 v1, v61;
	v52 =	vadd.f32 v37, v9;
	v8 =	vpop (erf);
	v29 =	vmul.f32 v5, v46;
	s28 =	spop (v2sf);
	s11 =	smax.f32 s11, s26  }
0x201: {  	[tilespmem:$0x1FCD0] =	vst v2;
	v2 =	vadd.f32 v54, v11;
	v23 =	vmul.f32 v8, v20;
	v10 =	vadd.f32 v10, v26;
	s30 =	smax.f32 s11, s28  }
0x202: {  	v0 =	vadd.f32 v52, v5;
	v34 =	vmul.f32 v8, v43;
	v7 =	vmul.f32 v41, v12;
	s0 =	ssub.f32 s0, s30  }
0x203: {  	v35 =	vld [tilespmem:$0x1FB30];
	v43 =	vmul.f32 v9, v57;
	v2 =	vadd.f32 v2, v13;
	v10 =	vadd.f32 v10, v29;
	s1 =	ssub.f32 s1, s30  }
0x204: {  	v56 =	vld [tilespmem:$0x1FB40];
	v0 =	vadd.f32 v0, v8;
	v12 =	vmul.f32 v17, v27;
	v3 =	vadd.f32 v3, v7;
	s10 =	ssub.f32 s10, s30  }
0x205: {  	v1 =	vld [tilespmem:s24+$0x103B0];
	v52 =	vmul.f32 v5, v60;
	v2 =	vadd.f32 v2, v23;
	s11 =	ssub.f32 s12, s30;
	v37 =	vadd.f32 v10, v34  }
0x206: {  	v61 =	vld [tilespmem:s25+$0x380];
	v7 =	vpop (erf);
	v3 =	vadd.f32 v3, v12;
	v40 =	vmov s0;
	v42 =	vmov s1  }
0x207: {  	v63 =	vld [tilespmem:s25+$0x790];
	v46 =	vmov s10;
	v29 =	vmov s11;
	v0 =	vadd.f32 v0, v7  }
0x208: {  	v23 =	vld [tilespmem:s25+$0x3F0];
	s10 =	ssub.f32 s31, s30;
	v28 =	vmul.f32 v7, v18;
	v41 =	vadd.f32 $0.0e+00, v40;
	v10 =	vadd.f32 $0.0e+00, v42  }
0x209: {  	v34 =	vld [tilespmem:s25+$0x3D0];
	v13 =	vpop (erf);
	v48 =	vmul.f32 v7, v33;
	v15 =	vadd.f32 $0.0e+00, v46;
	v17 =	vadd.f32 $0.0e+00, v29  }
0x20a: {  	v33 =	vld [tilespmem:s25+$0x390];
	v31 =	vmul.f32 v13, v19;
	v57 =	vmov s10;
	v4 =	vmul.f32 $1.442695020e+00, v41  }
0x20b: {  	v42 =	vld [tilespmem:s25+$0x3C0];
	v2 =	vadd.f32 v2, v28;
	v10 =	vmul.f32 $1.442695020e+00, v10;
	v15 =	vmul.f32 $1.442695020e+00, v15  }
0x20c: {  	v29 =	vld [tilespmem:s25+$0x3E0];
	v44 =	vpop (erf);
	v16 =	vadd.f32 v37, v48;
	v28 =	vmul.f32 v8, v59;
	v17 =	vmul.f32 $1.442695020e+00, v17  }
0x20d: {  	v40 =	vld [tilespmem:s25+$0x780];
	v37 =	vmul.f32 v44, v49;
	v12 =	vadd.f32 v2, v31;
	v2 =	vmul.f32 v6, v35  }
0x20e: {  	s12 =	ssub.f32 s29, s30;
	v18 =	vld [tilespmem:s25+$0xBA0];
	v0 =	vadd.f32 v0, v13;
	v54 =	vbroadcast v4, $0x0;
	v6 =	vmul.f32 v6, v56  }
0x20f: {  	s29 =	ssub.f32 s26, s30;
	[tilespmem:$0x1FCF0] =	vst v3;
	v3 =	vld [tilespmem:s25+$0x3B0];
	v27 =	vadd.f32 $0.0e+00, v57;
	v10 =	vbroadcast v10, $0x0;
	v15 =	vbroadcast v15, $0x0  }
0x210: {  	v59 =	vld [tilespmem:s25+$0x7D0];
	v0 =	vadd.f32 v0, v44;
	v31 =	vmul.f32 v13, v45;
	v35 =	vmul.f32 v44, v25  }
0x211: {  	v49 =	vmov s29;
	v4 =	vld [tilespmem:s24+$0x10390];
	v45 =	vmul.f32 v13, v47;
	v46 =	vbroadcast v17, $0x0  }
0x212: {  	(erf) = vrcp.f32 v0;
	v2 =	vadd.f32 v36, v2;
	v0 =	vld [tilespmem:s24+$0x103A0];
	v16 =	vadd.f32 v16, v31  }
0x213: {  	v12 =	vadd.f32 v12, v35;
	v48 =	vadd.f32 v58, v6;
	v31 =	vmov s12;
	v35 =	vld [tilespmem:$0x1FB50]  }
0x214: {  	v6 =	vld [tilespmem:s25+$0x7B0];
	v56 =	vmul.f32 v3, v1;
	(erf) = vpow2.f32 v54;
	v11 =	vadd.f32 v2, v43  }
0x215: {  	[tilespmem:$0x1FE50] =	vst v3;
	v3 =	vld [tilespmem:s25+$0xBF0];
	(erf) = vpow2.f32 v10;
	v10 =	vmul.f32 $1.442695020e+00, v27;
	v47 =	vadd.f32 v16, v37  }
0x216: {  	s30 =	ssub.f32 s28, s30;
	v36 =	vmul.f32 v7, v30;
	v2 =	vld [tilespmem:s24+$0x10380];
	v37 =	vadd.f32 $0.0e+00, v31;
	(erf) = vpow2.f32 v15  }
0x217: {  	v43 =	vld [tilespmem:$0x1FB80];
	v11 =	vadd.f32 v11, v52;
	v10 =	vbroadcast v10, $0x0;
	[tilespmem:$0x1FDD0] =	vst v47;
	v47 =	vmul.f32 v7, v55  }
0x218: {  	v27 =	vld [tilespmem:s25+$0x3A0];
	v7 =	vadd.f32 $0.0e+00, v49;
	v52 =	vmov s30;
	v9 =	vmul.f32 v9, v35  }
0x219: {  	v49 =	vld [tilespmem:s25+$0xB90];
	v17 =	vadd.f32 $0.0e+00, v52;
	v11 =	vadd.f32 v11, v28;
	(erf) = vpow2.f32 v10  }
0x21a: {  	v35 =	vld [tilespmem:s25+$0xB80];
	v10 =	vmul.f32 $1.442695020e+00, v37;
	v7 =	vmul.f32 $1.442695020e+00, v7  }
0x21b: {  	(erf) = vpow2.f32 v46;
	v17 =	vmul.f32 $1.442695020e+00, v17;
	v11 =	vadd.f32 v11, v36;
	v36 =	vld [tilespmem:$0x1FB60]  }
0x21c: {  	[tilespmem:$0x1FDC0] =	vst v12;
	v37 =	vld [tilespmem:s25+$0x7C0];
	v12 =	vadd.f32 v48, v9;
	v20 =	vmul.f32 v13, v43;
	v48 =	vmul.f32 v33, v4;
	v58 =	vpop (erf)  }
0x21d: {  	[tilespmem:$0x1FD90] =	vst v33;
	v52 =	vmul.f32 v42, v2;
	v33 =	vmul.f32 v63, v4;
	v11 =	vadd.f32 v11, v45;
	v45 =	vld [tilespmem:$0x1FB70];
	v26 =	vpop (erf)  }
0x21e: {  	v9 =	vld [tilespmem:s25+$0x7E0];
	v10 =	vbroadcast v10, $0x0;
	v57 =	vbroadcast v7, $0x0;
	v30 =	vpop (erf)  }
0x21f: {  	v7 =	vld [tilespmem:s25+$0x7F0];
	v54 =	vmul.f32 v26, v21;
	v14 =	vmul.f32 v30, v14  }
0x220: {  	v13 =	vld [tilespmem:s25+$0xBE0];
	(erf) = vpow2.f32 v10;
	v31 =	vpop (erf);
	v5 =	vmul.f32 v5, v36  }
0x221: {  	[tilespmem:$0x1FDA0] =	vst v34;
	v55 =	vmul.f32 v31, v22;
	v14 =	vadd.f32 v14, v54;
	v54 =	vmul.f32 v34, v4;
	v34 =	vld [tilespmem:s25+$0xBC0]  }
0x222: {  	v36 =	vbroadcast v17, $0x0;
	v46 =	vmul.f32 v8, v45;
	v8 =	vld [tilespmem:s25+$0x7A0];
	v5 =	vadd.f32 v12, v5  }
0x223: {  	[tilespmem:$0x1FE20] =	vst v29;
	v28 =	vpop (erf);
	(erf) = vpow2.f32 v57;
	v57 =	vmul.f32 v29, v0;
	v10 =	vadd.f32 v54, v52;
	v54 =	vld [tilespmem:s25+$0xFD0]  }
0x224: {  	[tilespmem:$0x1FEA0] =	vst v7;
	v29 =	vmul.f32 v40, v2;
	v60 =	vadd.f32 v14, v55;
	v52 =	vmul.f32 v7, v1;
	v7 =	vld [tilespmem:s24+$0x10420]  }
0x225: {  	v41 =	vmul.f32 v28, v38;
	v25 =	vpop (erf);
	(erf) = vpow2.f32 v36;
	v15 =	vadd.f32 v5, v46;
	v5 =	vld [tilespmem:s25+$0xBB0]  }
0x226: {  	v36 =	vmul.f32 v37, v2;
	v38 =	vmul.f32 v59, v4;
	v17 =	vadd.f32 v33, v29;
	v33 =	vld [tilespmem:s25+$0xF80]  }
0x227: {  	v46 =	vmul.f32 v25, v24;
	v24 =	vld [tilespmem:$0x1FBE0]  }
0x228: {  	v45 =	vadd.f32 v60, v41;
	v43 =	vadd.f32 v38, v36;
	v36 =	vld [tilespmem:s25+$0xFC0]  }
0x229: {  	v55 =	vmul.f32 v27, v0;
	v60 =	vmul.f32 v23, v1;
	v16 =	vadd.f32 v57, v10;
	v57 =	vld [tilespmem:s25+$0xFE0]  }
0x22a: {  	v14 =	vadd.f32 v15, v47;
	v47 =	vmul.f32 v61, v2;
	v12 =	vadd.f32 v45, v46;
	v45 =	vld [tilespmem:s25+$0xF90]  }
0x22b: {  	v38 =	vmul.f32 v35, v2;
	[tilespmem:$0x1FE30] =	vst v8;
	v41 =	vmul.f32 v8, v0;
	v16 =	vadd.f32 v60, v16;
	v8 =	vld [tilespmem:s25+$0xFB0]  }
0x22c: {  	v46 =	vmul.f32 v9, v0;
	v60 =	vmul.f32 v18, v0;
	v15 =	vadd.f32 v48, v47;
	v48 =	vld [tilespmem:s25+$0xBD0]  }
0x22d: {  	[tilespmem:$0x1FE90] =	vst v6;
	v47 =	vmul.f32 v6, v1;
	v6 =	vld [tilespmem:s24+$0x10410];
	v17 =	vadd.f32 v41, v17;
	v41 =	vmul.f32 v49, v4  }
0x22e: {  	[tilespmem:$0x1FE10] =	vst v27;
	v21 =	vadd.f32 v46, v43;
	v43 =	vld [tilespmem:s25+$0xFA0];
	v19 =	vmul.f32 v33, v2;
	v27 =	vmul.f32 v28, v24  }
0x22f: {  	v24 =	vld [tilespmem:s25+$0x800];
	v15 =	vadd.f32 v55, v15;
	v55 =	vmul.f32 v34, v2;
	v17 =	vadd.f32 v47, v17  }
0x230: {  	[tilespmem:$0x1FE70] =	vst v23;
	v2 =	vmul.f32 v36, v2;
	v21 =	vadd.f32 v52, v21;
	v22 =	vadd.f32 v41, v38;
	v38 =	vld [tilespmem:s25+$0xFF0]  }
0x231: {  	[tilespmem:$0x1FE60] =	vst v18;
	v47 =	vmul.f32 v5, v1;
	v41 =	vld [tilespmem:$0x1FB90];
	v15 =	vadd.f32 v56, v15;
	v56 =	vmul.f32 v48, v4  }
0x232: {  	[tilespmem:$0x1FEC0] =	vst v5;
	v5 =	vld [tilespmem:s25+$0x410];
	v46 =	vmul.f32 v45, v4;
	v22 =	vadd.f32 v60, v22;
	v4 =	vmul.f32 v54, v4  }
0x233: {  	[tilespmem:$0x1FED0] =	vst v43;
	(xrf2) =	vadd.scan.msk.f32 $0xffff, v15;
	v23 =	vadd.f32 v56, v55;
	v55 =	vmul.f32 v43, v0;
	v43 =	vld [tilespmem:s24+$0x10400]  }
0x234: {  	[tilespmem:$0x1FE40] =	vst v9;
	v52 =	vadd.f32 v46, v19;
	(xrf2) =	vadd.scan.msk.f32 $0xffff, v16;
	v56 =	vadd.f32 v47, v22;
	v47 =	vld [tilespmem:$0x1FBA0]  }
0x235: {  	[tilespmem:$0x1FE80] =	vst v13;
	v18 =	vmul.f32 v13, v0;
	v2 =	vadd.f32 v4, v2;
	v4 =	vld [tilespmem:$0x1FBC0];
	(xrf2) =	vadd.scan.msk.f32 $0xffff, v17  }
0x236: {  	v9 =	vmul.f32 v8, v1;
	v19 =	vpop (erf);
	v46 =	vmul.f32 v26, v41;
	v41 =	vld [tilespmem:s24+$0x10430];
	v15 =	vadd.f32 v55, v52;
	(xrf2) =	vadd.scan.msk.f32 $0xffff, v21  }
0x237: {  	[tilespmem:$0x1FF00] =	vst v57;
	v57 =	vmul.f32 v57, v0;
	v29 =	vmul.f32 v19, v39;
	(xrf2) =	vadd.scan.msk.f32 $0xffff, v56;
	v56 =	vld [tilespmem:$0x1FBB0]  }
0x238: {  	[tilespmem:$0x1FEB0] =	vst v54;
	v54 =	vmul.f32 v3, v1;
	v13 =	vpop (erf);
	v23 =	vadd.f32 v18, v23;
	v15 =	vadd.f32 v9, v15;
	v9 =	vld [tilespmem:$0x1FBD0]  }
0x239: {  	[tilespmem:$0x1FF10] =	vst v38;
	v38 =	vmul.f32 v38, v1;
	v1 =	vld [tilespmem:s25+$0x420];
	v12 =	vadd.f32 v12, v29;
	v55 =	vmul.f32 v13, v51  }
0x23a: {  	v14 =	vadd.f32 v14, v20;
	v21 =	vld [tilespmem:$0x1FC20];
	v60 =	vadd.f32 v54, v23;
	v52 =	vmul.f32 v30, v47  }
0x23b: {  	[tilespmem:$0x1FEF0] =	vst v8;
	v10 =	vadd.f32 v57, v2;
	v18 =	vpop (erf);
	v12 =	vadd.f32 v12, v55;
	v55 =	vld [tilespmem:$0x1FC10]  }
0x23c: {  	v23 =	vmul.f32 v18, v62;
	v8 =	vmul.f32 v44, v4;
	(xrf2) =	vadd.scan.msk.f32 $0xffff, v60;
	v16 =	vadd.f32 v52, v46;
	v46 =	vld [tilespmem:$0x1FBF0]  }
0x23d: {  	v54 =	vadd.f32 v38, v10;
	v52 =	vld [tilespmem:$0x1FC00];
	v57 =	vmul.f32 v31, v56;
	v10 =	vmul.f32 v44, v9  }
0x23e: {  	v60 =	vld [tilespmem:s25+$0x400];
	v39 =	vadd.f32 v12, v23;
	v29 =	vadd.f32 v11, v8  }
0x23f: {  	v2 =	vld [tilespmem:s25+$0x430];
	(xrf2) =	vadd.scan.msk.f32 $0xffff, v15;
	v22 =	vmul.f32 v31, v21;
	v51, _, _ =	vpop (xrf2);
	v15 =	vadd.f32 v16, v57;
	v38 =	vadd.f32 v14, v10  }
0x240: {  	[tilespmem:$0x1FEE0] =	vst v3;
	v56 =	vmul.f32 v30, v55;
	v57 =	vld [tilespmem:s25+$0x450];
	(v2sf) =	vpush v51, $0xF;
	v62, _, _ =	vpop (xrf2);
	v51 =	vmul.f32 v1, v7  }
0x241: {  	(v2sf) =	vpush v62, $0xF;
	v20, _, _ =	vpop (xrf2);
	v44 =	vadd.f32 v15, v27;
	v47 =	vmul.f32 v25, v46;
	[tilespmem:$0x1FDF0] =	vst v38;
	v38 =	vld [tilespmem:s25+$0x440]  }
0x242: {  	(xrf2) =	vadd.scan.msk.f32 $0xffff, v54;
	v10 =	vmul.f32 v19, v50;
	v54 =	vmul.f32 v26, v52;
	(v2sf) =	vpush v20, $0xF;
	v23, _, _ =	vpop (xrf2);
	v46 =	vld [tilespmem:$0x1FC30]  }
0x243: {  	v3 =	vld [tilespmem:s25+$0x460];
	[tilespmem:$0x1FDE0] =	vst v29;
	v55 =	vmul.f32 v60, v43;
	(v2sf) =	vpush v23, $0xF;
	v29, _, _ =	vpop (xrf2);
	v11 =	vadd.f32 v44, v47  }
0x244: {  	v52 =	vld [tilespmem:s25+$0x810];
	v14 =	vadd.f32 v56, v54;
	(v2sf) =	vpush v29, $0xF;
	v56 =	vmul.f32 v5, v6  }
0x245: {  	[tilespmem:$0x1FF20] =	vst v5;
	v4 =	vld [tilespmem:s25+$0x470];
	v44 =	vmul.f32 v13, v53;
	v27 =	vmul.f32 v57, v6;
	v11 =	vadd.f32 v11, v10  }
0x246: {  	v8 =	vld [tilespmem:s25+$0x820];
	[tilespmem:$0x1FE00] =	vst v39;
	v14 =	vadd.f32 v14, v22;
	v39, _, _ =	vpop (xrf2);
	v50 =	vadd.f32 v56, v55;
	v5 =	vmul.f32 v38, v43  }
0x247: {  	v0 =	vld [tilespmem:s25+$0x830];
	v55 =	vmul.f32 v2, v41;
	(v2sf) =	vpush v39, $0xF;
	v47 =	vmul.f32 v28, v46  }
0x248: {  	v17 =	vld [tilespmem:s25+$0xC40];
	[tilespmem:$0x1FF70] =	vst v1;
	v39 =	vadd.f32 v11, v44;
	v1 =	vadd.f32 v27, v5;
	v5 =	vmul.f32 v3, v7  }
0x249: {  	v16 =	vld [tilespmem:s25+$0x1040];
	v11 =	vadd.f32 v51, v50;
	v44 =	vmul.f32 v52, v6;
	v27 =	vmul.f32 v24, v43  }
0x24a: {  	v62 =	vld [tilespmem:s25+$0x840];
	v46 =	vadd.f32 v14, v47;
	v14 =	vadd.f32 v5, v1;
	v1 =	vmul.f32 v4, v41  }
0x24b: {  	[tilespmem:$0x1FF90] =	vst v2;
	v2 =	vmul.f32 v8, v7;
	v53, _, _ =	vpop (xrf2);
	v9 =	vadd.f32 v55, v11;
	v55 =	vld [tilespmem:$0x1FC40];
	v12 =	vadd.f32 v44, v27  }
0x24c: {  	(v2sf) =	vpush v53, $0xF;
	v54, _, _ =	vpop (xrf2);
	v10 =	vadd.f32 v1, v14;
	v1 =	vld [tilespmem:$0x1FC50]  }
0x24d: {  	[tilespmem:$0x1FFA0] =	vst v4;
	v29 =	vld [tilespmem:s25+$0x850];
	(v2sf) =	vpush v54, $0xF;
	v4 =	vmul.f32 v0, v41;
	v12 =	vadd.f32 v2, v12  }
0x24e: {  	v56 =	vld [tilespmem:s25+$0x860]  }
0x24f: {  	[tilespmem:$0x1FFB0] =	vst v8;
	v8 =	vadd.f32 v4, v12;
	v4 =	vld [tilespmem:$0x1FC60]  }
0x250: {  	v20 =	vld [tilespmem:s25+$0xC00]  }
0x251: {  	[tilespmem:$0x1FFC0] =	vst v0;
	v47 =	vadd.f32 v30, v26;
	v0 =	vmul.f32 v1, v55;
	v55 =	vld [tilespmem:$0x1FC70]  }
0x252: {  	v50 =	vld [tilespmem:s25+$0xC10];
	v21 =	vmul.f32 v29, v6;
	v5 =	vmul.f32 v62, v43  }
0x253: {  	[tilespmem:$0x1FF80] =	vst v3;
	v51 =	vld [tilespmem:s25+$0xC20];
	v3 =	vadd.f32 v47, v31  }
0x254: {  	v53 =	vld [tilespmem:s25+$0xC50];
	v15 =	vadd.f32 v21, v5;
	v5 =	vmul.f32 v56, v7;
	[tilespmem:$0x1FF30] =	vst v0;
	v0 =	vmul.f32 v1, v4  }
0x255: {  	v54 =	vld [tilespmem:s25+$0x870];
	s10 =	spop (v2sf)  }
0x256: {  	v11 =	vadd.f32 v3, v28;
	s11 =	spop (v2sf);
	[tilespmem:$0x1FF40] =	vst v0;
	v0 =	vmul.f32 v1, v55;
	v55 =	vadd.f32 v5, v15;
	v5 =	vld [tilespmem:$0x1FC80]  }
0x257: {  	v44 =	vld [tilespmem:s25+$0xC30];
	s1 =	spop (v2sf);
	s31 =	smax.f32 s10, s11  }
0x258: {  	v22 =	vmul.f32 v20, v43;
	v47 =	vld [tilespmem:s25+$0xC60];
	v23 =	vmul.f32 v50, v6;
	v11 =	vadd.f32 v11, v25;
	s0 =	spop (v2sf);
	s12 =	smax.f32 s31, s1  }
0x259: {  	v14 =	vld [tilespmem:s25+$0x1000];
	v21 =	vmul.f32 v51, v7;
	s31 =	spop (v2sf);
	s12 =	smax.f32 s12, s0  }
0x25a: {  	v12 =	vadd.f32 v23, v22;
	v23 =	vld [tilespmem:s25+$0x1010];
	v11 =	vadd.f32 v11, v19;
	s12 =	smax.f32 s12, s31;
	v4 =	vmul.f32 v53, v6;
	s29 =	spop (v2sf)  }
0x25b: {  	v27 =	vld [tilespmem:s25+$0xC70];
	s30 =	spop (v2sf);
	s12 =	smax.f32 s12, s29;
	v15 =	vmul.f32 v17, v43;
	[tilespmem:$0x1FF50] =	vst v0;
	v0 =	vmul.f32 v1, v5  }
0x25c: {  	v22 =	vld [tilespmem:s25+$0x1020];
	v2 =	vmul.f32 v44, v41;
	v12 =	vadd.f32 v21, v12;
	v11 =	vadd.f32 v11, v13;
	s26 =	spop (v2sf);
	s12 =	smax.f32 s12, s30  }
0x25d: {  	v21 =	vld [tilespmem:s25+$0x1050];
	s28 =	smax.f32 s12, s26;
	v15 =	vadd.f32 v4, v15;
	[tilespmem:$0x1FF60] =	vst v0;
	v0 =	vmul.f32 v47, v7  }
0x25e: {  	v2 =	vadd.f32 v2, v12;
	v12 =	vld [tilespmem:s25+$0x1060];
	v11 =	vadd.f32 v11, v18;
	s10 =	ssub.f32 s10, s28  }
0x25f: {  	(xrf2) =	vadd.scan.msk.f32 $0xffff, v9;
	v1 =	vmul.f32 v14, v43;
	v3 =	vadd.f32 v0, v15;
	v15 =	vld [tilespmem:s25+$0x1030];
	v0 =	vmul.f32 v23, v6  }
0x260: {  	(xrf2) =	vadd.scan.msk.f32 $0xffff, v10;
	v10 =	vld [tilespmem:$0x1FC90];
	(erf) = vrcp.f32 v11;
	v11 =	vmov s10;
	v5 =	vmul.f32 v54, v41  }
0x261: {  	v0 =	vadd.f32 v0, v1;
	v1 =	vadd.f32 $0.0e+00, v11;
	v11 =	vld [tilespmem:s25+$0x1070]  }
0x262: {  	v4 =	vmul.f32 v27, v41;
	v5 =	vadd.f32 v5, v55;
	v55 =	vmul.f32 v22, v7  }
0x263: {  	v43 =	vmul.f32 v16, v43;
	v7 =	vmul.f32 v12, v7  }
0x264: {  	(xrf2) =	vadd.scan.msk.f32 $0xffff, v8;
	v6 =	vmul.f32 v21, v6;
	v0 =	vadd.f32 v55, v0;
	v55 =	vmul.f32 v15, v41  }
0x265: {  	s11 =	ssub.f32 s11, s28;
	(xrf2) =	vadd.scan.msk.f32 $0xffff, v5;
	v5 =	vmul.f32 v25, v10;
	v1 =	vmul.f32 $1.442695020e+00, v1  }
0x266: {  	s1 =	ssub.f32 s1, s28;
	v6 =	vadd.f32 v6, v43;
	v0 =	vadd.f32 v55, v0;
	v55 =	vmul.f32 v11, v41;
	v41 =	vld [tilespmem:$0x1FCB0]  }
0x267: {  	v10 =	vld [tilespmem:$0x1FCA0];
	v3 =	vadd.f32 v4, v3;
	v4 =	vmov s11;
	v1 =	vbroadcast v1, $0x0  }
0x268: {  	s0 =	ssub.f32 s0, s28;
	v9 =	vmov s1;
	(xrf2) =	vadd.scan.msk.f32 $0xffff, v2;
	v4 =	vadd.f32 $0.0e+00, v4;
	v43 =	vadd.f32 v7, v6  }
0x269: {  	v8 =	vld [tilespmem:$0x1FCD0];
	(xrf2) =	vadd.scan.msk.f32 $0xffff, v3;
	(erf) = vpow2.f32 v1;
	v1 =	vadd.f32 $0.0e+00, v9  }
0x26a: {  	v4 =	vmul.f32 $1.442695020e+00, v4;
	(xrf2) =	vadd.scan.msk.f32 $0xffff, v0;
	v0 =	vadd.f32 v55, v43;
	v43 =	vmov s0;
	v55 =	vld [tilespmem:$0x1FCC0]  }
0x26b: {  	v1 =	vmul.f32 $1.442695020e+00, v1;
	v3 =	vadd.f32 $0.0e+00, v43;
	v2 =	vmul.f32 v19, v41;
	v41 =	vld [tilespmem:$0x1FCF0]  }
0x26c: {  	v5 =	vadd.f32 v46, v5;
	v46 =	vmul.f32 v32, v10;
	v4 =	vbroadcast v4, $0x0  }
0x26d: {  	(xrf2) =	vadd.scan.msk.f32 $0xffff, v0;
	v0 =	vbroadcast v1, $0x0;
	v1 =	vmul.f32 $1.442695020e+00, v3  }
0x26e: {  	s25 =	ssub.f32 s30, s28;
	v9 =	vld [tilespmem:$0x1FCE0];
	(erf) = vpow2.f32 v4;
	v43 =	vmul.f32 v32, v8  }
0x26f: {  	(erf) = vpow2.f32 v0;
	v0 =	vbroadcast v1, $0x0  }
0x270: {  	v55 =	vmul.f32 v32, v55;
	v41 =	vmul.f32 v32, v41;
	v32 =	vmov s25  }
0x271: {  	s11 =	ssub.f32 s31, s28;
	(erf) = vpow2.f32 v0;
	v0 =	vadd.f32 $0.0e+00, v32;
	v32 =	vld [tilespmem:$0x1FD00]  }
0x272: {  	s12 =	ssub.f32 s29, s28  }
0x273: {  	v10 =	vmov s11;
	v4 =	vmul.f32 v13, v9  }
0x274: {  	v9 =	vadd.f32 $0.0e+00, v10;
	v10 =	vmov s12;
	v2 =	vadd.f32 v5, v2;
	v3, _, _ =	vpop (xrf2)  }
0x275: {  	v6 =	vadd.f32 $0.0e+00, v10;
	(v2sf) =	vpush v3, $0xF  }
0x276: {  	v5, _, _ =	vpop (xrf2);
	v2 =	vadd.f32 v2, v4;
	v4 =	vmul.f32 $1.442695020e+00, v9;
	v8 =	vmul.f32 v26, v32;
	v32 =	vld [tilespmem:$0x1FD10]  }
0x277: {  	(v2sf) =	vpush v5, $0xF;
	v5 =	vmul.f32 $1.442695020e+00, v6  }
0x278: {  	v1, _, _ =	vpop (xrf2);
	v4 =	vbroadcast v4, $0x0;
	v0 =	vmul.f32 $1.442695020e+00, v0  }
0x279: {  	v10 =	vpop (erf);
	v26 =	vbroadcast v5, $0x0  }
0x27a: {  	s28 =	ssub.f32 s26, s28;
	v7, _, _ =	vpop (xrf2);
	(erf) = vpow2.f32 v4;
	v9 =	vbroadcast v0, $0x0  }
0x27b: {  	(v2sf) =	vpush v1, $0xF;
	v5 =	vmul.f32 v30, v32;
	v32 =	vpop (erf);
	(erf) = vpow2.f32 v26  }
0x27c: {  	v26 =	vmov s28;
	v0 =	vpop (erf);
	(erf) = vpow2.f32 v9;
	v9 =	vmul.f32 v32, v61;
	v61 =	vld [tilespmem:$0x1FD30]  }
0x27d: {  	v3, _, _ =	vpop (xrf2);
	(v2sf) =	vpush v7, $0xF;
	v30 =	vadd.f32 $0.0e+00, v26;
	v26 =	vmul.f32 v0, v42;
	v42 =	vld [tilespmem:$0x1FD20]  }
0x27e: {  	v6, _, _ =	vpop (xrf2);
	(v2sf) =	vpush v3, $0xF  }
0x27f: {  	v1, _, _ =	vpop (xrf2);
	(v2sf) =	vpush v6, $0xF;
	v3 =	vadd.f32 v26, v9;
	v26 =	vld [tilespmem:$0x1FD40]  }
0x280: {  	(v2sf) =	vpush v1, $0xF;
	v7, _, _ =	vpop (xrf2)  }
0x281: {  	(v2sf) =	vpush v7, $0xF  }
0x282: {  	v5 =	vadd.f32 v5, v8;
	v7 =	vmul.f32 v28, v61;
	v28 =	vld [tilespmem:$0x1FD50];
	v6 =	vmul.f32 v31, v42  }
0x283: {  	v1 =	vmul.f32 $1.442695020e+00, v30;
	v30 =	vpop (erf)  }
0x284: {  	v9 =	vmul.f32 v30, v40;
	v61 =	vld [tilespmem:$0x1FD80];
	v5 =	vadd.f32 v5, v6;
	v6 =	vmul.f32 v25, v26;
	v26 =	vpop (erf)  }
0x285: {  	v31 =	vmul.f32 v26, v37;
	v37 =	vld [tilespmem:$0x1FD60]  }
0x286: {  	v1 =	vbroadcast v1, $0x0;
	v3 =	vadd.f32 v3, v9  }
0x287: {  	v42 =	vld [tilespmem:$0x1FD70];
	v4 =	vmul.f32 v18, v28  }
0x288: {  	(erf) = vpow2.f32 v1;
	v25 =	vpop (erf);
	v5 =	vadd.f32 v5, v7;
	v3 =	vadd.f32 v3, v31;
	v31 =	vld [tilespmem:$0x1FDA0]  }
0x289: {  	v9 =	vpop (erf);
	v28 =	vld [tilespmem:$0x1FD90];
	v7 =	vadd.f32 v39, v4;
	v39 =	vmul.f32 v25, v35  }
0x28a: {  	s11 =	spop (v2sf);
	v40 =	vadd.f32 v5, v6;
	v5 =	vmul.f32 v13, v61;
	v13 =	vpop (erf);
	v1 =	vmul.f32 v18, v37  }
0x28b: {  	s12 =	spop (v2sf);
	v33 =	vmul.f32 v13, v33  }
0x28c: {  	s25 =	spop (v2sf);
	s29 =	smax.f32 s11, s12;
	v3 =	vadd.f32 v3, v39;
	v39 =	vld [tilespmem:$0x1FDB0];
	v8 =	vadd.f32 v2, v1;
	v2 =	vmul.f32 v19, v42  }
0x28d: {  	s26 =	spop (v2sf);
	s0 =	smax.f32 s29, s25;
	v19 =	vmul.f32 v9, v34;
	v6 =	vmul.f32 v0, v31  }
0x28e: {  	s28 =	spop (v2sf);
	s0 =	smax.f32 s0, s26;
	v34 =	vadd.f32 v0, v32;
	v1 =	vadd.f32 v40, v2;
	v2 =	vmul.f32 v32, v28  }
0x28f: {  	s1 =	spop (v2sf);
	s0 =	smax.f32 s0, s28;
	v3 =	vadd.f32 v3, v19  }
0x290: {  	s10 =	spop (v2sf);
	s30 =	smax.f32 s0, s1;
	v61 =	vld [tilespmem:$0x1FDC0];
	v37 =	vmul.f32 v30, v63;
	v40 =	vadd.f32 v34, v30;
	v35 =	vadd.f32 v6, v2  }
0x291: {  	s31 =	spop (v2sf);
	s29 =	smax.f32 s30, s10;
	v63 =	vmul.f32 v26, v59;
	v59 =	vld [tilespmem:$0x1FE00];
	v6 =	vmul.f32 v18, v39;
	v18 =	vadd.f32 v3, v33;
	v33 =	vpop (erf)  }
0x292: {  	s29 =	smax.f32 s29, s31;
	v39 =	vadd.f32 v40, v26;
	v40 =	vmul.f32 v33, v36;
	v42 =	vadd.f32 v35, v37;
	v35 =	vld [tilespmem:$0x1FDD0]  }
0x293: {  	s12 =	ssub.f32 s12, s29;
	v5 =	vadd.f32 v1, v5;
	v37 =	vld [tilespmem:$0x1FDE0]  }
0x294: {  	v31 =	vadd.f32 v39, v25;
	v18 =	vadd.f32 v18, v40;
	v40 =	vld [tilespmem:$0x1FE10]  }
0x295: {  	v39 =	vmov s12;
	v19 =	vadd.f32 v42, v63;
	v42 =	vmul.f32 v25, v49;
	v49 =	vld [tilespmem:$0x1FDF0]  }
0x296: {  	v2 =	vmul.f32 v58, v61;
	v34 =	vadd.f32 $0.0e+00, v39;
	v63 =	vmul.f32 v9, v48;
	v48 =	vld [tilespmem:$0x1FE20]  }
0x297: {  	v61 =	vadd.f32 v31, v9;
	v19 =	vadd.f32 v19, v42;
	v3 =	vmul.f32 v58, v35  }
0x298: {  	v1 =	vmul.f32 v58, v37;
	v35 =	vadd.f32 v5, v6;
	v6 =	vmul.f32 v10, v59  }
0x299: {  	v28 =	vadd.f32 v61, v13;
	v5 =	vmul.f32 v10, v7;
	v7 =	vmul.f32 v10, v8  }
0x29a: {  	s11 =	ssub.f32 s11, s29;
	v42 =	vmul.f32 v32, v40;
	v59 =	vadd.f32 v19, v63;
	v40 =	vmul.f32 v13, v45  }
0x29b: {  	s25 =	ssub.f32 s25, s29;
	v28 =	vadd.f32 v28, v33;
	v45 =	vld [tilespmem:$0x1FE30];
	v4 =	vmul.f32 v58, v49;
	v49 =	vmul.f32 v0, v48  }
0x29c: {  	s26 =	ssub.f32 s26, s29;
	v58 =	vmov s11;
	v8 =	vmul.f32 v10, v35;
	v48 =	vmul.f32 $1.442695020e+00, v34  }
0x29d: {  	v37 =	vadd.f32 $0.0e+00, v58;
	(erf) = vrcp.f32 v28;
	v10 =	vadd.f32 v59, v40  }
0x29e: {  	s10 =	ssub.f32 s10, s29;
	v58 =	vld [tilespmem:$0x1FE40];
	v59 =	vmov s26;
	v61 =	vadd.f32 v49, v42;
	v42 =	vmov s25  }
0x29f: {  	s1 =	ssub.f32 s1, s29;
	v28 =	vbroadcast v48, $0x0;
	v35 =	vadd.f32 $0.0e+00, v59;
	v63 =	vmul.f32 $1.442695020e+00, v37  }
0x2a0: {  	v48 =	vmov s10;
	v36 =	vadd.f32 $0.0e+00, v42;
	v37 =	vmul.f32 v30, v45  }
0x2a1: {  	v42 =	vld [tilespmem:$0x1FE60];
	v40 =	vmul.f32 $1.442695020e+00, v35;
	v45 =	vmov s1;
	v31 =	vbroadcast v63, $0x0  }
0x2a2: {  	s30 =	ssub.f32 s28, s29;
	v49 =	vmul.f32 $1.442695020e+00, v36;
	v63 =	vld [tilespmem:$0x1FE50];
	v35 =	vadd.f32 $0.0e+00, v45;
	v36 =	vadd.f32 $0.0e+00, v48  }
0x2a3: {  	v45 =	vld [tilespmem:$0x1FEC0];
	v19 =	vadd.f32 v61, v37;
	v34 =	vmul.f32 v26, v58;
	(erf) = vpow2.f32 v31  }
0x2a4: {  	v61 =	vmov s30;
	v31 =	vbroadcast v49, $0x0;
	v58 =	vmul.f32 $1.442695020e+00, v35  }
0x2a5: {  	s0 =	ssub.f32 s31, s29;
	v39 =	vadd.f32 $0.0e+00, v61;
	v49 =	vld [tilespmem:$0x1FE70];
	v59 =	vmul.f32 $1.442695020e+00, v36;
	(erf) = vpow2.f32 v28  }
0x2a6: {  	v36 =	vld [tilespmem:$0x1FE90];
	v19 =	vadd.f32 v19, v34;
	v34 =	vmul.f32 v25, v42;
	(erf) = vpow2.f32 v31  }
0x2a7: {  	v61 =	vmov s0;
	v28 =	vmul.f32 $1.442695020e+00, v39;
	v31 =	vbroadcast v40, $0x0  }
0x2a8: {  	v39 =	vld [tilespmem:$0x1FEA0];
	v32 =	vmul.f32 v32, v63;
	v19 =	vadd.f32 v19, v34;
	v25 =	vmul.f32 v25, v45  }
0x2a9: {  	v63 =	vld [tilespmem:$0x1FE80];
	v34 =	vadd.f32 $0.0e+00, v61;
	v28 =	vbroadcast v28, $0x0;
	(erf) = vpow2.f32 v31  }
0x2aa: {  	v40 =	vld [tilespmem:$0x1FEB0];
	v31 =	vbroadcast v58, $0x0;
	v0 =	vmul.f32 v0, v49  }
0x2ab: {  	v58 =	vld [tilespmem:$0x1FEE0];
	v30 =	vmul.f32 v30, v36;
	v37 =	vmul.f32 $1.442695020e+00, v34  }
0x2ac: {  	(erf) = vpow2.f32 v28;
	v28 =	vbroadcast v59, $0x0  }
0x2ad: {  	v48 =	vld [tilespmem:$0x1FED0];
	v0 =	vadd.f32 v0, v32;
	v32 =	vpop (erf);
	(erf) = vpow2.f32 v31;
	v26 =	vmul.f32 v26, v39  }
0x2ae: {  	v31 =	vbroadcast v37, $0x0;
	v35 =	vmul.f32 v9, v63  }
0x2af: {  	v18 =	vmul.f32 v32, v18;
	v34 =	vpop (erf);
	v0 =	vadd.f32 v0, v30;
	(erf) = vpow2.f32 v28  }
0x2b0: {  	v37 =	vld [tilespmem:$0x1FEF0];
	v30 =	vmul.f32 v33, v40;
	v9 =	vmul.f32 v9, v58;
	v19 =	vadd.f32 v19, v35;
	v28 =	vpop (erf)  }
0x2b1: {  	(erf) = vpow2.f32 v31;
	v61 =	vmul.f32 v34, v60;
	v42 =	vadd.f32 v28, v34  }
0x2b2: {  	v0 =	vadd.f32 v0, v26;
	v26 =	vmul.f32 v13, v48;
	v36 =	vpop (erf);
	v63 =	vmul.f32 v28, v38  }
0x2b3: {  	v10 =	vadd.f32 v10, v30;
	v38 =	vld [tilespmem:$0x1FF00];
	v45 =	vmul.f32 v28, v57;
	v49 =	vadd.f32 v42, v36  }
0x2b4: {  	v39 =	vld [tilespmem:$0x1FF10];
	v24 =	vmul.f32 v36, v24;
	v0 =	vadd.f32 v0, v25;
	v25 =	vpop (erf);
	v30 =	vadd.f32 v63, v61  }
0x2b5: {  	v60 =	vld [tilespmem:$0x1FF70];
	v13 =	vmul.f32 v13, v37;
	v52 =	vmul.f32 v36, v52;
	v59 =	vadd.f32 v49, v25  }
0x2b6: {  	v42 =	vld [tilespmem:$0x1FF20];
	v40 =	vmul.f32 v25, v62;
	v0 =	vadd.f32 v0, v9;
	v9 =	vpop (erf);
	v24 =	vadd.f32 v30, v24  }
0x2b7: {  	v19 =	vadd.f32 v19, v26;
	v10 =	vmul.f32 v32, v10;
	v62 =	vld [tilespmem:$0x1FF90];
	v26 =	vadd.f32 v59, v9  }
0x2b8: {  	v35 =	vmul.f32 v33, v38;
	v31 =	vpop (erf);
	v20 =	vmul.f32 v9, v20;
	v24 =	vadd.f32 v24, v40  }
0x2b9: {  	v0 =	vadd.f32 v0, v13;
	v13 =	vmul.f32 v33, v39;
	v26 =	vadd.f32 v26, v31  }
0x2ba: {  	v61 =	vld [tilespmem:$0x1FF80];
	v17 =	vmul.f32 v31, v17;
	v59 =	vmul.f32 v25, v29;
	v33 =	vpop (erf);
	v20 =	vadd.f32 v24, v20  }
0x2bb: {  	[tilespmem:s24+$0x14200] =	vst v46;
	v63 =	vld [tilespmem:$0x1FFA0];
	v0 =	vadd.f32 v0, v13;
	v13 =	vmul.f32 v34, v42;
	v26 =	vadd.f32 v26, v33  }
0x2bc: {  	[tilespmem:s24+$0x14220] =	vst v43;
	v30 =	vpop (erf);
	v24 =	vmul.f32 v34, v62;
	v17 =	vadd.f32 v20, v17;
	v20 =	vmul.f32 v34, v60;
	v34 =	vld [tilespmem:$0x1FFB0]  }
0x2bd: {  	[tilespmem:s24+$0x14210] =	vst v55;
	v39 =	vmul.f32 v25, v56;
	v19 =	vadd.f32 v19, v35;
	v35 =	vld [tilespmem:$0x1FFC0];
	v26 =	vadd.f32 v26, v30  }
0x2be: {  	[tilespmem:s24+$0x14230] =	vst v41;
	v40 =	vmul.f32 v31, v53;
	v25 =	vmul.f32 v25, v54  }
0x2bf: {  	[tilespmem:s24+$0x14280] =	vst v2;
	v13 =	vadd.f32 v45, v13;
	(erf) = vrcp.f32 v26;
	v26 =	vmul.f32 v28, v61  }
0x2c0: {  	[tilespmem:s24+$0x14290] =	vst v3;
	v19 =	vmul.f32 v32, v19;
	v28 =	vmul.f32 v28, v63  }
0x2c1: {  	[tilespmem:s24+$0x142A0] =	vst v1;
	v48 =	vld [tilespmem:$0x1FF30];
	v13 =	vadd.f32 v13, v52;
	v29 =	vmul.f32 v36, v34;
	v20 =	vadd.f32 v26, v20  }
0x2c2: {  	[tilespmem:s24+$0x14300] =	vst v6;
	v49 =	vld [tilespmem:$0x1FF40];
	v0 =	vmul.f32 v32, v0;
	v24 =	vadd.f32 v28, v24;
	v28 =	vmul.f32 v36, v35  }
0x2c3: {  	[tilespmem:s24+$0x14310] =	vst v5;
	v32 =	vmul.f32 v9, v50;
	v13 =	vadd.f32 v13, v59;
	v38 =	vadd.f32 v20, v29  }
0x2c4: {  	[tilespmem:s24+$0x14320] =	vst v7;
	v14 =	vmul.f32 v33, v14;
	v42 =	vmul.f32 v9, v51;
	v24 =	vadd.f32 v24, v28  }
0x2c5: {  	[tilespmem:s24+$0x142B0] =	vst v4;
	v58 =	vld [tilespmem:$0x1FF60];
	v46 =	vmul.f32 v33, v23;
	v37 =	vadd.f32 v13, v32;
	v13 =	vadd.f32 v38, v39  }
0x2c6: {  	v57 =	vld [tilespmem:$0x1FF50];
	[tilespmem:s24+$0x14180] =	vst v48;
	v51 =	vmul.f32 v31, v27;
	v45 =	vmul.f32 v9, v44;
	v43 =	vadd.f32 v24, v25  }
0x2c7: {  	v53 =	vmul.f32 v33, v22;
	[tilespmem:s24+$0x14190] =	vst v49;
	v49 =	vmul.f32 v31, v47;
	v48 =	vadd.f32 v13, v42  }
0x2c8: {  	[tilespmem:s24+$0x14330] =	vst v8;
	v55 =	vmul.f32 v33, v15;
	v2 =	vadd.f32 v37, v40;
	v3 =	vadd.f32 v43, v45  }
0x2c9: {  	[tilespmem:s24+$0x14380] =	vst v18;
	v50 =	vmul.f32 v30, v16;
	v41 =	vadd.f32 v17, v14;
	v52 =	vadd.f32 v48, v49  }
0x2ca: {  	[tilespmem:s24+$0x141B0] =	vst v58;
	v54 =	vmul.f32 v30, v21;
	v2 =	vadd.f32 v2, v46;
	v3 =	vadd.f32 v3, v51  }
0x2cb: {  	[tilespmem:s24+$0x141A0] =	vst v57;
	v57 =	vmul.f32 v30, v12;
	v1 =	vadd.f32 v41, v50;
	v56 =	vadd.f32 v52, v53  }
0x2cc: {  	[tilespmem:s24+$0x14390] =	vst v10;
	v59 =	vmul.f32 v30, v11;
	v2 =	vadd.f32 v2, v54;
	v58 =	vpop (erf);
	v3 =	vadd.f32 v3, v55  }
0x2cd: {  	p0 =	slt.u32 s23, $0x78;
	[tilespmem:s24+$0x143A0] =	vst v19;
	v1 =	vmul.f32 v58, v1;
	v5 =	vadd.f32 v56, v57  }
.Ltmp0:
0x2ce: {  	[tilespmem:s24+$0x143B0] =	vst v0;
	v60 =	vmul.f32 v58, v2;
	v61 =	vadd.f32 v3, v59;
	(pc) =	sbr.rel @p0 .LBB2_2-.Ltmp0, $4  }
0x2cf: {  	[tilespmem:s24+$0x14400] =	vst v1;
	v62 =	vmul.f32 v58, v5  }
0x2d0: {  	[tilespmem:s24+$0x14410] =	vst v60;
	v63 =	vmul.f32 v58, v61  }
0x2d1: {  	s31 =	sadd.s32 $0x8, s23;
	[tilespmem:s24+$0x14420] =	vst v62  }
0x2d2: {  	s23 =	smov.u32 s31;
	[tilespmem:s24+$0x14430] =	vst v63  }
0x2d3: {  	s22 =	sadd.s32 $0x1, s22  }
0x2d4: {  	p0 =	sne.s32 s22, s8  }
.Ltmp1:
0x2d5: {  	_ = 	snop;
	(pc) =	sbr.rel @p0 .LBB2_1-.Ltmp1, $4  }
0x2d6: {  	[hbm4b:s7+s2] =	stream.linear.scatter [tilespmem:s21], [sflag:$0x2], $0x4000, $0x38;
	[tilespmem:$0x18080] =	vst v63  }
0x2d7: {  	_ =	swait.ge [sflag:s9], $0x4000  }
0x2d8: {  	[sflag:s9] =	ssyncset.done $0x0  }
0x2d9: {  	[sflag:s9] =	ssyncadd.s32 $0xFFFFC000  }
0x2da: {  	_ =	sfence.sel $0x180000  }
0x2db: {  	[bflag:$0x0] =	sbarrier.arrive $0xFFFF  }
0x2dc: {  	_ =	strace $0x90000047  }
0x2dd: {  	s0 =	stileid.u32;
	[bflag:$0x2] =	sbarrier.arrive $0xFFFF  }
0x2de: {  	p0 =	sne.s32 s0, $0x0;
	s0 =	rddreg [dreg:$0x2]  }
0x2df: {  	s0 =	sadd.s32 @!p0 $0x100000, s0  }
0x2e0: {  	[sflag:s0] =	ssyncadd.tile.s32 @!p0 $0x1;
	_ =	shalt  }
.Lfunc_end2:
_tile_overlayer_lowered:
.L_overlay_start_2:
0x2e1: {  	(tag) =	ssettag $0x2  }
0x2e2: {  	s0 =	rddreg [dreg:$0x0];
	s2 =	stileid.u32  }
0x2e3: {  	s1 =	rddreg [dreg:$0x1];
	p0 =	sne.s32 s2, $0x0  }
0x2e4: {  	s3 =	rddreg [dreg:$0x2];
	[bflag:$0x3] =	sbarrier.arrive $0xFFFF;
	s2 =	simm.s32 @!p0 $0x1C02  }
0x2e5: {  	[timem:s3], [sflag:s2] =	dma.local @!p0 [hbm:s0], s1  }
0x2e6: {  	s0 =	simm.s32 @!p0 $0x2  }
0x2e7: {  	_ =	swait.ge @!p0 [sflag:s0], s1  }
0x2e8: {  	s1 =	ssub.s32 @!p0 $0x0, s1;
	[sflag:s0] =	ssyncset.done @!p0 $0x0  }
0x2e9: {  	[sflag:s0] =	ssyncadd.s32 @!p0 s1  }
0x2ea: {  	[bflag:$0x3] =	sbarrier.arrive $0xFFFF  }
0x2eb: {  	_ =	shalt  }

</sc_bundles>
